<compile_context>
chip_gen: v7x
topology: tpu7x:2x2x1
jax: 0.10.2.dev20260603
libtpu: 0.0.44.dev20260713+nightly
codegen_flags: <defaults>
</compile_context>

<pallas_src>
import functools

import jax
import jax.numpy as jnp
from jax import lax
from jax.experimental import pallas as pl
from jax.experimental.pallas import tpu as pltpu
from jax.experimental.pallas import tpu_sc as plsc

N_NODES = 10000
N_EDGES = 320000
C_IN = 128
C_HID = 16
C_OUT = 128
W = 32

NC = 2
NS = 16
CHUNK = 128
E_ROWS = N_EDGES // CHUNK
BASE_CH = E_ROWS // (NC * NS)
EXTRA_CH = E_ROWS - BASE_CH * NC * NS
CH_TOT = 80
NBUF = 4
N_ACC = N_NODES + CHUNK
ROWS_PER_SUB = N_NODES // NS
ROW_CH = 125
N_ROW_CH = ROWS_PER_SUB // ROW_CH

BLK = 1000
N_BLK = N_NODES // BLK


def _tc1_body(x_ref, wl_ref, wr_ref, yp_ref, r_ref):
    xb = x_ref[...]
    y = lax.dot_general(
        xb, wl_ref[...], (((1,), (1,)), ((), ())),
        preferred_element_type=jnp.float32,
    )
    yp_ref[...] = jnp.concatenate(
        [y, jnp.ones((BLK, 1), jnp.float32), jnp.zeros((BLK, W - C_HID - 1), jnp.float32)],
        axis=1,
    )
    r_ref[...] = lax.dot_general(
        xb, wr_ref[...], (((1,), (1,)), ((), ())),
        preferred_element_type=jnp.float32,
    )


def _tc1(x, wl, wr):
    return pl.pallas_call(
        _tc1_body,
        grid=(N_BLK,),
        in_specs=[
            pl.BlockSpec((BLK, C_IN), lambda i: (i, 0)),
            pl.BlockSpec((C_HID, C_IN), lambda i: (0, 0)),
            pl.BlockSpec((C_HID, C_IN), lambda i: (0, 0)),
        ],
        out_specs=[
            pl.BlockSpec((BLK, W), lambda i: (i, 0)),
            pl.BlockSpec((BLK, C_HID), lambda i: (i, 0)),
        ],
        out_shape=[
            jax.ShapeDtypeStruct((N_NODES, W), jnp.float32),
            jax.ShapeDtypeStruct((N_NODES, C_HID), jnp.float32),
        ],
    )(x, wl, wr)


def _sc_body(ybig, ei3, out, src_v, dst_v, rows_v0, rows_v1, buf_v, acc_sh,
             ybig_sh, gsem0, gsem1):
    c = lax.axis_index("c")
    s = lax.axis_index("s")
    g = c * NS + s

    def zrow(i, carry):
        buf_v[i, pl.ds(0, 16)] = jnp.zeros((16,), jnp.float32)
        buf_v[i, pl.ds(16, 16)] = jnp.zeros((16,), jnp.float32)
        return carry

    lax.fori_loop(0, ROW_CH, zrow, 0)

    def zcp(k, carry):
        pltpu.sync_copy(buf_v, acc_sh.at[pl.ds(s * ROWS_PER_SUB + k * ROW_CH, ROW_CH)])
        return carry

    lax.fori_loop(0, N_ROW_CH, zcp, 0)

    def ycp(k, carry):
        base = s * ROWS_PER_SUB + k * ROW_CH
        pltpu.sync_copy(ybig.at[pl.ds(base, ROW_CH)], ybig_sh.at[pl.ds(base, ROW_CH)])
        return carry

    lax.fori_loop(0, N_ROW_CH, ycp, 0)

    pltpu.sync_copy(ei3.at[0, pl.ds(g * BASE_CH, BASE_CH)], src_v.at[pl.ds(0, BASE_CH)])
    pltpu.sync_copy(ei3.at[1, pl.ds(g * BASE_CH, BASE_CH)], dst_v.at[pl.ds(0, BASE_CH)])

    @pl.when(g < EXTRA_CH)
    def _():
        pltpu.sync_copy(
            ei3.at[0, pl.ds(NC * NS * BASE_CH + g, 1)], src_v.at[pl.ds(BASE_CH, 1)]
        )
        pltpu.sync_copy(
            ei3.at[1, pl.ds(NC * NS * BASE_CH + g, 1)], dst_v.at[pl.ds(BASE_CH, 1)]
        )

    n_ch = BASE_CH + jnp.where(g < EXTRA_CH, 1, 0)

    plsc.subcore_barrier()

    pltpu.async_copy(ybig_sh.at[src_v.at[0]], rows_v0, gsem0)

    def pair(i, carry):
        j0 = 2 * i
        j1 = j0 + 1
        pltpu.make_async_copy(ybig_sh.at[src_v.at[j0]], rows_v0, gsem0).wait()
        pltpu.async_copy(ybig_sh.at[src_v.at[j1]], rows_v1, gsem1)
        pltpu.sync_copy(rows_v0, acc_sh.at[dst_v.at[j0]], add=True)
        pltpu.make_async_copy(ybig_sh.at[src_v.at[j1]], rows_v1, gsem1).wait()
        jn = jnp.minimum(j0 + 2, n_ch - 1)
        pltpu.async_copy(ybig_sh.at[src_v.at[jn]], rows_v0, gsem0)
        pltpu.sync_copy(rows_v1, acc_sh.at[dst_v.at[j1]], add=True)
        return carry

    lax.fori_loop(0, BASE_CH // 2, pair, 0)

    pltpu.make_async_copy(ybig_sh.at[src_v.at[BASE_CH]], rows_v0, gsem0).wait()

    @pl.when(g < EXTRA_CH)
    def _():
        pltpu.sync_copy(rows_v0, acc_sh.at[dst_v.at[BASE_CH]], add=True)

    plsc.subcore_barrier()

    def ocp(k, carry):
        base = s * ROWS_PER_SUB + k * ROW_CH
        pltpu.sync_copy(acc_sh.at[pl.ds(base, ROW_CH)], buf_v)
        pltpu.sync_copy(buf_v, out.at[c, pl.ds(base, ROW_CH)])
        return carry

    lax.fori_loop(0, N_ROW_CH, ocp, 0)


@functools.cache
def _sc_agg():
    return functools.partial(
        pl.kernel,
        out_type=jax.ShapeDtypeStruct((NC, N_NODES, W), jnp.float32),
        mesh=plsc.VectorSubcoreMesh(
            core_axis_name="c", subcore_axis_name="s", num_cores=NC, num_subcores=NS
        ),
        compiler_params=pltpu.CompilerParams(use_tc_tiling_on_sc=False),
        scratch_types=[
            pltpu.VMEM((BASE_CH + 1, CHUNK), jnp.int32),
            pltpu.VMEM((BASE_CH + 1, CHUNK), jnp.int32),
            pltpu.VMEM((CHUNK, W), jnp.float32),
            pltpu.VMEM((CHUNK, W), jnp.float32),
            pltpu.VMEM((ROW_CH, W), jnp.float32),
            pltpu.VMEM_SHARED((N_NODES, W), jnp.float32),
            pltpu.VMEM_SHARED((N_NODES, W), jnp.float32),
            pltpu.SemaphoreType.DMA,
            pltpu.SemaphoreType.DMA,
        ],
    )(_sc_body)


def _tc2_body(accp_ref, r_ref, bl_ref, w2_ref, b2_ref, out_ref):
    ap = accp_ref[...]
    a = ap[0] + ap[1]
    s16 = a[:, :C_HID]
    cnt = a[:, C_HID:C_HID + 1]
    mean = s16 / jnp.maximum(cnt, 1.0)
    h = jnp.maximum(mean + bl_ref[...] + r_ref[...], 0.0)
    out_ref[...] = (
        lax.dot_general(
            h, w2_ref[...], (((1,), (1,)), ((), ())),
            preferred_element_type=jnp.float32,
        )
        + b2_ref[...]
    )


def _tc2(accp, r, bl, w2, b2):
    return pl.pallas_call(
        _tc2_body,
        grid=(N_BLK,),
        in_specs=[
            pl.BlockSpec((NC, BLK, W), lambda i: (0, i, 0)),
            pl.BlockSpec((BLK, C_HID), lambda i: (i, 0)),
            pl.BlockSpec((1, C_HID), lambda i: (0, 0)),
            pl.BlockSpec((C_OUT, C_HID), lambda i: (0, 0)),
            pl.BlockSpec((1, C_OUT), lambda i: (0, 0)),
        ],
        out_specs=pl.BlockSpec((BLK, C_OUT), lambda i: (i, 0)),
        out_shape=jax.ShapeDtypeStruct((N_NODES, C_OUT), jnp.float32),
    )(accp, r, bl, w2, b2)


def kernel(x, edge_index, W_l, b_l, W_r, W2, b2):
    ei3 = edge_index.astype(jnp.int32).reshape(2, N_EDGES // CHUNK, CHUNK)

    ybig, r = _tc1(x, W_l, W_r)
    acc = _sc_agg()(ybig, ei3)
    return _tc2(acc, r, b_l.reshape(1, C_HID), W2, b2.reshape(1, C_OUT))

# --- scband reference (transcript-rebuilt; emitter-appended) ---
"""Pipeline reference for scband-sys-admin-model-80066780332528 (READ-ONLY COPY).

The authoritative reference and input builder live on the scoring server;
editing this copy changes nothing except your own understanding.
"""

import jax, jax.numpy as jnp
import numpy as np

N_NODES = 10000
N_EDGES = 320000
C_IN = 128
C_HIDDEN = 16
C_OUT = 128


def setup_inputs(seed: int = 0) -> dict:
    key = jax.random.key(seed)
    k_x, k_ei, k_wl, k_bl, k_wr, k_w2, k_b2 = jax.random.split(key, 7)
    x = jax.random.normal(k_x, (N_NODES, C_IN), dtype=jnp.float32)
    edge_index = jax.random.randint(k_ei, (2, N_EDGES), 0, N_NODES, dtype=jnp.int64)
    # SAGEConv params: lin_l (applied to aggregated neighbors, has bias), lin_r (root, no bias)
    s1 = 1.0 / np.sqrt(C_IN)
    W_l = jax.random.uniform(k_wl, (C_HIDDEN, C_IN), minval=-s1, maxval=s1, dtype=jnp.float32)
    b_l = jax.random.uniform(k_bl, (C_HIDDEN,), minval=-s1, maxval=s1, dtype=jnp.float32)
    W_r = jax.random.uniform(k_wr, (C_HIDDEN, C_IN), minval=-s1, maxval=s1, dtype=jnp.float32)
    # Output Linear(c_hidden, c_out)
    s2 = 1.0 / np.sqrt(C_HIDDEN)
    W2 = jax.random.uniform(k_w2, (C_OUT, C_HIDDEN), minval=-s2, maxval=s2, dtype=jnp.float32)
    b2 = jax.random.uniform(k_b2, (C_OUT,), minval=-s2, maxval=s2, dtype=jnp.float32)
    return {"x": x, "edge_index": edge_index, "W_l": W_l, "b_l": b_l, "W_r": W_r, "W2": W2, "b2": b2}


def reference(x, edge_index, W_l, b_l, W_r, W2, b2):
    # SAGEConv with mean aggregation (PyG semantics):
    #   out = lin_l(mean_{j in N(i)} x_j) + lin_r(x_i)
    src = edge_index[0]
    dst = edge_index[1]
    n = x.shape[0]
    msgs = jnp.take(x, src, axis=0)                       # gather [E, C_IN]
    summed = jax.ops.segment_sum(msgs, dst, num_segments=n)  # scatter-add [N, C_IN]
    counts = jax.ops.segment_sum(jnp.ones((msgs.shape[0],), dtype=x.dtype), dst, num_segments=n)
    mean = summed / jnp.clip(counts, 1.0, None)[:, None]
    h = mean @ W_l.T + b_l + x @ W_r.T                    # [N, C_HIDDEN]
    h = jax.nn.relu(h)
    out = h @ W2.T + b2                                   # [N, C_OUT]
    return out

if __name__ == "__main__":
    import jax
    _d = setup_inputs()
    print(jax.jit(kernel)(*tuple(_d.values())))

</pallas_src>

<mosaic_0001>
#map = affine_map<(d0, d1) -> (0, 0)>
#map1 = affine_map<(d0, d1) -> (0, 0, 0)>
module attributes {stable_mosaic.version = 14 : i64} {
  func.func @_sc_body(%arg0: i32, %arg1: i32, %arg2: memref<10000x32xf32, #tpu.memory_space<hbm>>, %arg3: memref<2x2500x128xi32, #tpu.memory_space<hbm>>, %arg4: memref<2x10000x32xf32, #tpu.memory_space<hbm>>, %arg5: memref<79x128xi32, #tpu.memory_space<vmem>>, %arg6: memref<79x128xi32, #tpu.memory_space<vmem>>, %arg7: memref<128x32xf32, #tpu.memory_space<vmem>>, %arg8: memref<128x32xf32, #tpu.memory_space<vmem>>, %arg9: memref<125x32xf32, #tpu.memory_space<vmem>>, %arg10: memref<10000x32xf32, #tpu.memory_space<vmem_shared>>, %arg11: memref<10000x32xf32, #tpu.memory_space<vmem_shared>>, %arg12: memref<!tpu.dma_semaphore, #tpu.memory_space<semaphore_mem>>, %arg13: memref<!tpu.dma_semaphore, #tpu.memory_space<semaphore_mem>>) attributes {dimension_semantics = [#tpu.dimension_semantics<core_parallel>, #tpu.dimension_semantics<subcore_parallel>], iteration_bounds = array<i64: 2, 16>, scalar_prefetch = 0 : i64, scratch_operands = 9 : i64, tpu.core_type = #tpu.core_type<sc_vector_subcore>, window_params = [{transform_indices = #map}, {transform_indices = #map1}, {transform_indices = #map1}]} {
    %mul3A = arith.constant 16 : i32
    %mul3A_0 = arith.muli %arg0, %mul3A : i32
    %add3A = arith.addi %mul3A_0, %arg1 : i32
    %scan3A = arith.constant 0 : i32
    %scan3A_1 = arith.constant 0 : i32
    %scan3A_2 = arith.constant 125 : i32
    %scan3A_3 = arith.addi %scan3A_1, %scan3A_2 : i32
    %scan3A_4 = arith.constant 1 : i32
    scf.for %scan3A_60 = %scan3A_1 to %scan3A_3 step %scan3A_4  : i32 {
      %broadcast_in_dim3A = arith.constant 0.000000e+00 : f32
      %broadcast_in_dim3A_61 = vector.broadcast %broadcast_in_dim3A : f32 to vector<16xf32>
      %swap3A = arith.index_cast %scan3A_60 : i32 to index
      %swap3A_62 = arith.constant 0 : index
      %swap3A_63 = tpu.vector_load %arg9[%swap3A, %swap3A_62] {strides = array<i32>} : memref<125x32xf32, #tpu.memory_space<vmem>>, vector<1x16xf32>,
      %swap3A_64 = vector.shape_cast %swap3A_63 : vector<1x16xf32> to vector<16xf32>
      %swap3A_65 = vector.shape_cast %broadcast_in_dim3A_61 : vector<16xf32> to vector<1x16xf32>
      tpu.vector_store %arg9[%swap3A, %swap3A_62], %swap3A_65 {strides = array<i32>} : memref<125x32xf32, #tpu.memory_space<vmem>>, vector<1x16xf32>,
      %broadcast_in_dim3A_66 = arith.constant 0.000000e+00 : f32
      %broadcast_in_dim3A_67 = vector.broadcast %broadcast_in_dim3A_66 : f32 to vector<16xf32>
      %swap3A_68 = arith.index_cast %scan3A_60 : i32 to index
      %swap3A_69 = arith.constant 16 : index
      %swap3A_70 = tpu.vector_load %arg9[%swap3A_68, %swap3A_69] {strides = array<i32>} : memref<125x32xf32, #tpu.memory_space<vmem>>, vector<1x16xf32>,
      %swap3A_71 = vector.shape_cast %swap3A_70 : vector<1x16xf32> to vector<16xf32>
      %swap3A_72 = vector.shape_cast %broadcast_in_dim3A_67 : vector<16xf32> to vector<1x16xf32>
      tpu.vector_store %arg9[%swap3A_68, %swap3A_69], %swap3A_72 {strides = array<i32>} : memref<125x32xf32, #tpu.memory_space<vmem>>, vector<1x16xf32>,
    }
    %scan3A_5 = arith.constant 125 : i32
    %scan3A_6 = arith.constant 0 : i32
    %scan3A_7 = arith.constant 0 : i32
    %scan3A_8 = arith.constant 5 : i32
    %scan3A_9 = arith.addi %scan3A_7, %scan3A_8 : i32
    %scan3A_10 = arith.constant 1 : i32
    scf.for %scan3A_60 = %scan3A_7 to %scan3A_9 step %scan3A_10  : i32 {
      %mul3A_61 = arith.constant 625 : i32
      %mul3A_62 = arith.muli %arg1, %mul3A_61 : i32
      %mul3A_63 = arith.constant 125 : i32
      %mul3A_64 = arith.muli %scan3A_60, %mul3A_63 : i32
      %add3A_65 = arith.addi %mul3A_62, %mul3A_64 : i32
      "tpu.region"() ({
        %run_scoped3A_66 = tpu.sem_alloc : memref<!tpu.dma_semaphore, #tpu.memory_space<semaphore_mem>>
        %dma_start3A_67 = arith.constant 0 : i32
        %dma_start3A_68 = tpu.memref_slice %arg10[%add3A_65, %dma_start3A_67] : memref<10000x32xf32, #tpu.memory_space<vmem_shared>> -> memref<125x32xf32, #tpu.memory_space<vmem_shared>>
        %dma_start3A_69 = arith.constant 0 : i32
        %dma_start3A_70 = tpu.memref_slice %arg10[%add3A_65, %dma_start3A_69] : memref<10000x32xf32, #tpu.memory_space<vmem_shared>> -> memref<125x32xf32, #tpu.memory_space<vmem_shared>>
        tpu.enqueue_dma source(%arg9 : memref<125x32xf32, #tpu.memory_space<vmem>>) target(%dma_start3A_70 : memref<125x32xf32, #tpu.memory_space<vmem_shared>>) target_semaphore(%run_scoped3A_66 : memref<!tpu.dma_semaphore, #tpu.memory_space<semaphore_mem>>)
        %dma_wait3A_71 = arith.constant 0 : i32
        %dma_wait3A_72 = tpu.memref_slice %arg10[%add3A_65, %dma_wait3A_71] : memref<10000x32xf32, #tpu.memory_space<vmem_shared>> -> memref<125x32xf32, #tpu.memory_space<vmem_shared>>
        %dma_wait3A_73 = arith.constant 0 : i32
        %dma_wait3A_74 = tpu.memref_slice %arg10[%add3A_65, %dma_wait3A_73] : memref<10000x32xf32, #tpu.memory_space<vmem_shared>> -> memref<125x32xf32, #tpu.memory_space<vmem_shared>>
        tpu.wait_dma2 semaphore(%run_scoped3A_66 : memref<!tpu.dma_semaphore, #tpu.memory_space<semaphore_mem>>) src(%arg9 : memref<125x32xf32, #tpu.memory_space<vmem>>) dst(%dma_wait3A_74 : memref<125x32xf32, #tpu.memory_space<vmem_shared>>)
        tpu.yield
      }) : () -> ()
    }
    %scan3A_11 = arith.constant 5 : i32
    %scan3A_12 = arith.constant 0 : i32
    %scan3A_13 = arith.constant 0 : i32
    %scan3A_14 = arith.constant 5 : i32
    %scan3A_15 = arith.addi %scan3A_13, %scan3A_14 : i32
    %scan3A_16 = arith.constant 1 : i32
    scf.for %scan3A_60 = %scan3A_13 to %scan3A_15 step %scan3A_16  : i32 {
      %mul3A_61 = arith.constant 625 : i32
      %mul3A_62 = arith.muli %arg1, %mul3A_61 : i32
      %mul3A_63 = arith.constant 125 : i32
      %mul3A_64 = arith.muli %scan3A_60, %mul3A_63 : i32
      %add3A_65 = arith.addi %mul3A_62, %mul3A_64 : i32
      "tpu.region"() ({
        %run_scoped3A_66 = tpu.sem_alloc : memref<!tpu.dma_semaphore, #tpu.memory_space<semaphore_mem>>
        %dma_start3A_67 = arith.constant 0 : i32
        %dma_start3A_68 = tpu.memref_slice %arg11[%add3A_65, %dma_start3A_67] : memref<10000x32xf32, #tpu.memory_space<vmem_shared>> -> memref<125x32xf32, #tpu.memory_space<vmem_shared>>
        %dma_start3A_69 = arith.constant 0 : i32
        %dma_start3A_70 = tpu.memref_slice %arg2[%add3A_65, %dma_start3A_69] : memref<10000x32xf32, #tpu.memory_space<hbm>> -> memref<125x32xf32, #tpu.memory_space<hbm>>
        tpu.enqueue_dma source(%dma_start3A_70 : memref<125x32xf32, #tpu.memory_space<hbm>>) target(%dma_start3A_68 : memref<125x32xf32, #tpu.memory_space<vmem_shared>>) target_semaphore(%run_scoped3A_66 : memref<!tpu.dma_semaphore, #tpu.memory_space<semaphore_mem>>)
        %dma_wait3A_71 = arith.constant 0 : i32
        %dma_wait3A_72 = tpu.memref_slice %arg11[%add3A_65, %dma_wait3A_71] : memref<10000x32xf32, #tpu.memory_space<vmem_shared>> -> memref<125x32xf32, #tpu.memory_space<vmem_shared>>
        %dma_wait3A_73 = arith.constant 0 : i32
        %dma_wait3A_74 = tpu.memref_slice %arg2[%add3A_65, %dma_wait3A_73] : memref<10000x32xf32, #tpu.memory_space<hbm>> -> memref<125x32xf32, #tpu.memory_space<hbm>>
        tpu.wait_dma2 semaphore(%run_scoped3A_66 : memref<!tpu.dma_semaphore, #tpu.memory_space<semaphore_mem>>) src(%dma_wait3A_74 : memref<125x32xf32, #tpu.memory_space<hbm>>) dst(%dma_wait3A_72 : memref<125x32xf32, #tpu.memory_space<vmem_shared>>)
        tpu.yield
      }) : () -> ()
    }
    %scan3A_17 = arith.constant 5 : i32
    %mul3A_18 = arith.constant 78 : i32
    %mul3A_19 = arith.muli %add3A, %mul3A_18 : i32
    %run_scoped3A = arith.constant 0 : i32
    "tpu.region"() ({
      %run_scoped3A_60 = tpu.sem_alloc : memref<!tpu.dma_semaphore, #tpu.memory_space<semaphore_mem>>
      %dma_start3A_61 = arith.constant 0 : i32
      %dma_start3A_62 = arith.constant 0 : i32
      %dma_start3A_63 = tpu.memref_slice %arg5[%dma_start3A_61, %dma_start3A_62] : memref<79x128xi32, #tpu.memory_space<vmem>> -> memref<78x128xi32, #tpu.memory_space<vmem>>
      %dma_start3A_64 = arith.constant 0 : i32
      %dma_start3A_65 = tpu.memref_slice %arg3[%run_scoped3A, %mul3A_19, %dma_start3A_64] : memref<2x2500x128xi32, #tpu.memory_space<hbm>> -> memref<1x78x128xi32, #tpu.memory_space<hbm>>
      %dma_start3A_66 = tpu.memref_squeeze %dma_start3A_65 : memref<1x78x128xi32, #tpu.memory_space<hbm>> -> memref<78x128xi32, #tpu.memory_space<hbm>>
      %dma_start3A_67 = arith.constant 0 : i32
      %dma_start3A_68 = arith.constant 0 : i32
      %dma_start3A_69 = tpu.memref_slice %arg5[%dma_start3A_67, %dma_start3A_68] : memref<79x128xi32, #tpu.memory_space<vmem>> -> memref<78x128xi32, #tpu.memory_space<vmem>>
      %dma_start3A_70 = arith.constant 0 : i32
      %dma_start3A_71 = tpu.memref_slice %arg3[%run_scoped3A, %mul3A_19, %dma_start3A_70] : memref<2x2500x128xi32, #tpu.memory_space<hbm>> -> memref<1x78x128xi32, #tpu.memory_space<hbm>>
      %dma_start3A_72 = tpu.memref_squeeze %dma_start3A_71 : memref<1x78x128xi32, #tpu.memory_space<hbm>> -> memref<78x128xi32, #tpu.memory_space<hbm>>
      tpu.enqueue_dma source(%dma_start3A_72 : memref<78x128xi32, #tpu.memory_space<hbm>>) target(%dma_start3A_69 : memref<78x128xi32, #tpu.memory_space<vmem>>) target_semaphore(%run_scoped3A_60 : memref<!tpu.dma_semaphore, #tpu.memory_space<semaphore_mem>>)
      %dma_wait3A_73 = arith.constant 0 : i32
      %dma_wait3A_74 = arith.constant 0 : i32
      %dma_wait3A_75 = tpu.memref_slice %arg5[%dma_wait3A_73, %dma_wait3A_74] : memref<79x128xi32, #tpu.memory_space<vmem>> -> memref<78x128xi32, #tpu.memory_space<vmem>>
      %dma_wait3A_76 = arith.constant 0 : i32
      %dma_wait3A_77 = tpu.memref_slice %arg3[%run_scoped3A, %mul3A_19, %dma_wait3A_76] : memref<2x2500x128xi32, #tpu.memory_space<hbm>> -> memref<1x78x128xi32, #tpu.memory_space<hbm>>
      %dma_wait3A_78 = tpu.memref_squeeze %dma_wait3A_77 : memref<1x78x128xi32, #tpu.memory_space<hbm>> -> memref<78x128xi32, #tpu.memory_space<hbm>>
      %dma_wait3A_79 = arith.constant 0 : i32
      %dma_wait3A_80 = arith.constant 0 : i32
      %dma_wait3A_81 = tpu.memref_slice %arg5[%dma_wait3A_79, %dma_wait3A_80] : memref<79x128xi32, #tpu.memory_space<vmem>> -> memref<78x128xi32, #tpu.memory_space<vmem>>
      %dma_wait3A_82 = arith.constant 0 : i32
      %dma_wait3A_83 = tpu.memref_slice %arg3[%run_scoped3A, %mul3A_19, %dma_wait3A_82] : memref<2x2500x128xi32, #tpu.memory_space<hbm>> -> memref<1x78x128xi32, #tpu.memory_space<hbm>>
      %dma_wait3A_84 = tpu.memref_squeeze %dma_wait3A_83 : memref<1x78x128xi32, #tpu.memory_space<hbm>> -> memref<78x128xi32, #tpu.memory_space<hbm>>
      tpu.wait_dma2 semaphore(%run_scoped3A_60 : memref<!tpu.dma_semaphore, #tpu.memory_space<semaphore_mem>>) src(%dma_wait3A_84 : memref<78x128xi32, #tpu.memory_space<hbm>>) dst(%dma_wait3A_81 : memref<78x128xi32, #tpu.memory_space<vmem>>)
      tpu.yield
    }) : () -> ()
    %mul3A_20 = arith.constant 78 : i32
    %mul3A_21 = arith.muli %add3A, %mul3A_20 : i32
    %run_scoped3A_22 = arith.constant 1 : i32
    "tpu.region"() ({
      %run_scoped3A_60 = tpu.sem_alloc : memref<!tpu.dma_semaphore, #tpu.memory_space<semaphore_mem>>
      %dma_start3A_61 = arith.constant 0 : i32
      %dma_start3A_62 = arith.constant 0 : i32
      %dma_start3A_63 = tpu.memref_slice %arg6[%dma_start3A_61, %dma_start3A_62] : memref<79x128xi32, #tpu.memory_space<vmem>> -> memref<78x128xi32, #tpu.memory_space<vmem>>
      %dma_start3A_64 = arith.constant 0 : i32
      %dma_start3A_65 = tpu.memref_slice %arg3[%run_scoped3A_22, %mul3A_21, %dma_start3A_64] : memref<2x2500x128xi32, #tpu.memory_space<hbm>> -> memref<1x78x128xi32, #tpu.memory_space<hbm>>
      %dma_start3A_66 = tpu.memref_squeeze %dma_start3A_65 : memref<1x78x128xi32, #tpu.memory_space<hbm>> -> memref<78x128xi32, #tpu.memory_space<hbm>>
      %dma_start3A_67 = arith.constant 0 : i32
      %dma_start3A_68 = arith.constant 0 : i32
      %dma_start3A_69 = tpu.memref_slice %arg6[%dma_start3A_67, %dma_start3A_68] : memref<79x128xi32, #tpu.memory_space<vmem>> -> memref<78x128xi32, #tpu.memory_space<vmem>>
      %dma_start3A_70 = arith.constant 0 : i32
      %dma_start3A_71 = tpu.memref_slice %arg3[%run_scoped3A_22, %mul3A_21, %dma_start3A_70] : memref<2x2500x128xi32, #tpu.memory_space<hbm>> -> memref<1x78x128xi32, #tpu.memory_space<hbm>>
      %dma_start3A_72 = tpu.memref_squeeze %dma_start3A_71 : memref<1x78x128xi32, #tpu.memory_space<hbm>> -> memref<78x128xi32, #tpu.memory_space<hbm>>
      tpu.enqueue_dma source(%dma_start3A_72 : memref<78x128xi32, #tpu.memory_space<hbm>>) target(%dma_start3A_69 : memref<78x128xi32, #tpu.memory_space<vmem>>) target_semaphore(%run_scoped3A_60 : memref<!tpu.dma_semaphore, #tpu.memory_space<semaphore_mem>>)
      %dma_wait3A_73 = arith.constant 0 : i32
      %dma_wait3A_74 = arith.constant 0 : i32
      %dma_wait3A_75 = tpu.memref_slice %arg6[%dma_wait3A_73, %dma_wait3A_74] : memref<79x128xi32, #tpu.memory_space<vmem>> -> memref<78x128xi32, #tpu.memory_space<vmem>>
      %dma_wait3A_76 = arith.constant 0 : i32
      %dma_wait3A_77 = tpu.memref_slice %arg3[%run_scoped3A_22, %mul3A_21, %dma_wait3A_76] : memref<2x2500x128xi32, #tpu.memory_space<hbm>> -> memref<1x78x128xi32, #tpu.memory_space<hbm>>
      %dma_wait3A_78 = tpu.memref_squeeze %dma_wait3A_77 : memref<1x78x128xi32, #tpu.memory_space<hbm>> -> memref<78x128xi32, #tpu.memory_space<hbm>>
      %dma_wait3A_79 = arith.constant 0 : i32
      %dma_wait3A_80 = arith.constant 0 : i32
      %dma_wait3A_81 = tpu.memref_slice %arg6[%dma_wait3A_79, %dma_wait3A_80] : memref<79x128xi32, #tpu.memory_space<vmem>> -> memref<78x128xi32, #tpu.memory_space<vmem>>
      %dma_wait3A_82 = arith.constant 0 : i32
      %dma_wait3A_83 = tpu.memref_slice %arg3[%run_scoped3A_22, %mul3A_21, %dma_wait3A_82] : memref<2x2500x128xi32, #tpu.memory_space<hbm>> -> memref<1x78x128xi32, #tpu.memory_space<hbm>>
      %dma_wait3A_84 = tpu.memref_squeeze %dma_wait3A_83 : memref<1x78x128xi32, #tpu.memory_space<hbm>> -> memref<78x128xi32, #tpu.memory_space<hbm>>
      tpu.wait_dma2 semaphore(%run_scoped3A_60 : memref<!tpu.dma_semaphore, #tpu.memory_space<semaphore_mem>>) src(%dma_wait3A_84 : memref<78x128xi32, #tpu.memory_space<hbm>>) dst(%dma_wait3A_81 : memref<78x128xi32, #tpu.memory_space<vmem>>)
      tpu.yield
    }) : () -> ()
    %lt3A = arith.constant 4 : i32
    %lt3A_23 = arith.cmpi slt, %add3A, %lt3A : i32
    %convert_element_type3A = arith.extui %lt3A_23 : i1 to i32
    %cond3A = arith.constant 0 : i32
    %cond3A_24 = arith.cmpi ne, %convert_element_type3A, %cond3A : i32
    scf.if %cond3A_24 {
      %add3A_60 = arith.constant 2496 : i32
      %add3A_61 = arith.addi %add3A_60, %add3A : i32
      %run_scoped3A_62 = arith.constant 0 : i32
      "tpu.region"() ({
        %run_scoped3A_66 = tpu.sem_alloc : memref<!tpu.dma_semaphore, #tpu.memory_space<semaphore_mem>>
        %dma_start3A_67 = arith.constant 78 : i32
        %dma_start3A_68 = arith.constant 0 : i32
        %dma_start3A_69 = tpu.memref_slice %arg5[%dma_start3A_67, %dma_start3A_68] : memref<79x128xi32, #tpu.memory_space<vmem>> -> memref<1x128xi32, #tpu.memory_space<vmem>>
        %dma_start3A_70 = arith.constant 0 : i32
        %dma_start3A_71 = tpu.memref_slice %arg3[%run_scoped3A_62, %add3A_61, %dma_start3A_70] : memref<2x2500x128xi32, #tpu.memory_space<hbm>> -> memref<1x1x128xi32, #tpu.memory_space<hbm>>
        %dma_start3A_72 = tpu.memref_squeeze %dma_start3A_71 : memref<1x1x128xi32, #tpu.memory_space<hbm>> -> memref<1x128xi32, #tpu.memory_space<hbm>>
        %dma_start3A_73 = arith.constant 78 : i32
        %dma_start3A_74 = arith.constant 0 : i32
        %dma_start3A_75 = tpu.memref_slice %arg5[%dma_start3A_73, %dma_start3A_74] : memref<79x128xi32, #tpu.memory_space<vmem>> -> memref<1x128xi32, #tpu.memory_space<vmem>>
        %dma_start3A_76 = arith.constant 0 : i32
        %dma_start3A_77 = tpu.memref_slice %arg3[%run_scoped3A_62, %add3A_61, %dma_start3A_76] : memref<2x2500x128xi32, #tpu.memory_space<hbm>> -> memref<1x1x128xi32, #tpu.memory_space<hbm>>
        %dma_start3A_78 = tpu.memref_squeeze %dma_start3A_77 : memref<1x1x128xi32, #tpu.memory_space<hbm>> -> memref<1x128xi32, #tpu.memory_space<hbm>>
        tpu.enqueue_dma source(%dma_start3A_78 : memref<1x128xi32, #tpu.memory_space<hbm>>) target(%dma_start3A_75 : memref<1x128xi32, #tpu.memory_space<vmem>>) target_semaphore(%run_scoped3A_66 : memref<!tpu.dma_semaphore, #tpu.memory_space<semaphore_mem>>)
        %dma_wait3A_79 = arith.constant 78 : i32
        %dma_wait3A_80 = arith.constant 0 : i32
        %dma_wait3A_81 = tpu.memref_slice %arg5[%dma_wait3A_79, %dma_wait3A_80] : memref<79x128xi32, #tpu.memory_space<vmem>> -> memref<1x128xi32, #tpu.memory_space<vmem>>
        %dma_wait3A_82 = arith.constant 0 : i32
        %dma_wait3A_83 = tpu.memref_slice %arg3[%run_scoped3A_62, %add3A_61, %dma_wait3A_82] : memref<2x2500x128xi32, #tpu.memory_space<hbm>> -> memref<1x1x128xi32, #tpu.memory_space<hbm>>
        %dma_wait3A_84 = tpu.memref_squeeze %dma_wait3A_83 : memref<1x1x128xi32, #tpu.memory_space<hbm>> -> memref<1x128xi32, #tpu.memory_space<hbm>>
        %dma_wait3A_85 = arith.constant 78 : i32
        %dma_wait3A_86 = arith.constant 0 : i32
        %dma_wait3A_87 = tpu.memref_slice %arg5[%dma_wait3A_85, %dma_wait3A_86] : memref<79x128xi32, #tpu.memory_space<vmem>> -> memref<1x128xi32, #tpu.memory_space<vmem>>
        %dma_wait3A_88 = arith.constant 0 : i32
        %dma_wait3A_89 = tpu.memref_slice %arg3[%run_scoped3A_62, %add3A_61, %dma_wait3A_88] : memref<2x2500x128xi32, #tpu.memory_space<hbm>> -> memref<1x1x128xi32, #tpu.memory_space<hbm>>
        %dma_wait3A_90 = tpu.memref_squeeze %dma_wait3A_89 : memref<1x1x128xi32, #tpu.memory_space<hbm>> -> memref<1x128xi32, #tpu.memory_space<hbm>>
        tpu.wait_dma2 semaphore(%run_scoped3A_66 : memref<!tpu.dma_semaphore, #tpu.memory_space<semaphore_mem>>) src(%dma_wait3A_90 : memref<1x128xi32, #tpu.memory_space<hbm>>) dst(%dma_wait3A_87 : memref<1x128xi32, #tpu.memory_space<vmem>>)
        tpu.yield
      }) : () -> ()
      %add3A_63 = arith.constant 2496 : i32
      %add3A_64 = arith.addi %add3A_63, %add3A : i32
      %run_scoped3A_65 = arith.constant 1 : i32
      "tpu.region"() ({
        %run_scoped3A_66 = tpu.sem_alloc : memref<!tpu.dma_semaphore, #tpu.memory_space<semaphore_mem>>
        %dma_start3A_67 = arith.constant 78 : i32
        %dma_start3A_68 = arith.constant 0 : i32
        %dma_start3A_69 = tpu.memref_slice %arg6[%dma_start3A_67, %dma_start3A_68] : memref<79x128xi32, #tpu.memory_space<vmem>> -> memref<1x128xi32, #tpu.memory_space<vmem>>
        %dma_start3A_70 = arith.constant 0 : i32
        %dma_start3A_71 = tpu.memref_slice %arg3[%run_scoped3A_65, %add3A_64, %dma_start3A_70] : memref<2x2500x128xi32, #tpu.memory_space<hbm>> -> memref<1x1x128xi32, #tpu.memory_space<hbm>>
        %dma_start3A_72 = tpu.memref_squeeze %dma_start3A_71 : memref<1x1x128xi32, #tpu.memory_space<hbm>> -> memref<1x128xi32, #tpu.memory_space<hbm>>
        %dma_start3A_73 = arith.constant 78 : i32
        %dma_start3A_74 = arith.constant 0 : i32
        %dma_start3A_75 = tpu.memref_slice %arg6[%dma_start3A_73, %dma_start3A_74] : memref<79x128xi32, #tpu.memory_space<vmem>> -> memref<1x128xi32, #tpu.memory_space<vmem>>
        %dma_start3A_76 = arith.constant 0 : i32
        %dma_start3A_77 = tpu.memref_slice %arg3[%run_scoped3A_65, %add3A_64, %dma_start3A_76] : memref<2x2500x128xi32, #tpu.memory_space<hbm>> -> memref<1x1x128xi32, #tpu.memory_space<hbm>>
        %dma_start3A_78 = tpu.memref_squeeze %dma_start3A_77 : memref<1x1x128xi32, #tpu.memory_space<hbm>> -> memref<1x128xi32, #tpu.memory_space<hbm>>
        tpu.enqueue_dma source(%dma_start3A_78 : memref<1x128xi32, #tpu.memory_space<hbm>>) target(%dma_start3A_75 : memref<1x128xi32, #tpu.memory_space<vmem>>) target_semaphore(%run_scoped3A_66 : memref<!tpu.dma_semaphore, #tpu.memory_space<semaphore_mem>>)
        %dma_wait3A_79 = arith.constant 78 : i32
        %dma_wait3A_80 = arith.constant 0 : i32
        %dma_wait3A_81 = tpu.memref_slice %arg6[%dma_wait3A_79, %dma_wait3A_80] : memref<79x128xi32, #tpu.memory_space<vmem>> -> memref<1x128xi32, #tpu.memory_space<vmem>>
        %dma_wait3A_82 = arith.constant 0 : i32
        %dma_wait3A_83 = tpu.memref_slice %arg3[%run_scoped3A_65, %add3A_64, %dma_wait3A_82] : memref<2x2500x128xi32, #tpu.memory_space<hbm>> -> memref<1x1x128xi32, #tpu.memory_space<hbm>>
        %dma_wait3A_84 = tpu.memref_squeeze %dma_wait3A_83 : memref<1x1x128xi32, #tpu.memory_space<hbm>> -> memref<1x128xi32, #tpu.memory_space<hbm>>
        %dma_wait3A_85 = arith.constant 78 : i32
        %dma_wait3A_86 = arith.constant 0 : i32
        %dma_wait3A_87 = tpu.memref_slice %arg6[%dma_wait3A_85, %dma_wait3A_86] : memref<79x128xi32, #tpu.memory_space<vmem>> -> memref<1x128xi32, #tpu.memory_space<vmem>>
        %dma_wait3A_88 = arith.constant 0 : i32
        %dma_wait3A_89 = tpu.memref_slice %arg3[%run_scoped3A_65, %add3A_64, %dma_wait3A_88] : memref<2x2500x128xi32, #tpu.memory_space<hbm>> -> memref<1x1x128xi32, #tpu.memory_space<hbm>>
        %dma_wait3A_90 = tpu.memref_squeeze %dma_wait3A_89 : memref<1x1x128xi32, #tpu.memory_space<hbm>> -> memref<1x128xi32, #tpu.memory_space<hbm>>
        tpu.wait_dma2 semaphore(%run_scoped3A_66 : memref<!tpu.dma_semaphore, #tpu.memory_space<semaphore_mem>>) src(%dma_wait3A_90 : memref<1x128xi32, #tpu.memory_space<hbm>>) dst(%dma_wait3A_87 : memref<1x128xi32, #tpu.memory_space<vmem>>)
        tpu.yield
      }) : () -> ()
    } else {
    }
    %lt3A_25 = arith.constant 4 : i32
    %lt3A_26 = arith.cmpi slt, %add3A, %lt3A_25 : i32
    %jit3A = arith.constant 1 : i32
    %jit3A_27 = arith.constant 0 : i32
    %select_n3A = arith.select %lt3A_26, %jit3A, %jit3A_27 : i32
    %add3A_28 = arith.constant 78 : i32
    %add3A_29 = arith.addi %add3A_28, %select_n3A : i32
    %barrier3A = arith.constant 0 : index
    tpu.barrier barrier_id(%barrier3A)
    %dma_start3A = arith.constant 0 : i32
    %dma_start3A_30 = arith.constant 0 : i32
    %dma_start3A_31 = tpu.memref_slice %arg5[%dma_start3A, %dma_start3A_30] : memref<79x128xi32, #tpu.memory_space<vmem>> -> memref<1x128xi32, #tpu.memory_space<vmem>>
    %dma_start3A_32 = tpu.memref_squeeze %dma_start3A_31 : memref<1x128xi32, #tpu.memory_space<vmem>> -> memref<128xi32, #tpu.memory_space<vmem>>
    %dma_start3A_33 = arith.constant 0 : i32
    %dma_start3A_34 = arith.constant 0 : i32
    %dma_start3A_35 = tpu.memref_slice %arg11[%dma_start3A_33, %dma_start3A_34] : memref<10000x32xf32, #tpu.memory_space<vmem_shared>> -> memref<10000x32xf32, #tpu.memory_space<vmem_shared>>
    tpu.enqueue_indirect_dma source(%dma_start3A_35 : memref<10000x32xf32, #tpu.memory_space<vmem_shared>>) target(%arg7 : memref<128x32xf32, #tpu.memory_space<vmem>>) offsets(%dma_start3A_32 : memref<128xi32, #tpu.memory_space<vmem>>) semaphore(%arg12 : memref<!tpu.dma_semaphore, #tpu.memory_space<semaphore_mem>>)
    %scan3A_36 = arith.constant 0 : i32
    %scan3A_37 = arith.constant 0 : i32
    %scan3A_38 = arith.constant 39 : i32
    %scan3A_39 = arith.addi %scan3A_37, %scan3A_38 : i32
    %scan3A_40 = arith.constant 1 : i32
    scf.for %scan3A_60 = %scan3A_37 to %scan3A_39 step %scan3A_40  : i32 {
      %mul3A_61 = arith.constant 2 : i32
      %mul3A_62 = arith.muli %mul3A_61, %scan3A_60 : i32
      %add3A_63 = arith.constant 1 : i32
      %add3A_64 = arith.addi %mul3A_62, %add3A_63 : i32
      %dma_wait3A_65 = arith.constant 0 : i32
      %dma_wait3A_66 = tpu.memref_slice %arg5[%mul3A_62, %dma_wait3A_65] : memref<79x128xi32, #tpu.memory_space<vmem>> -> memref<1x128xi32, #tpu.memory_space<vmem>>
      %dma_wait3A_67 = tpu.memref_squeeze %dma_wait3A_66 : memref<1x128xi32, #tpu.memory_space<vmem>> -> memref<128xi32, #tpu.memory_space<vmem>>
      %dma_wait3A_68 = arith.constant 0 : i32
      %dma_wait3A_69 = arith.constant 0 : i32
      %dma_wait3A_70 = tpu.memref_slice %arg11[%dma_wait3A_68, %dma_wait3A_69] : memref<10000x32xf32, #tpu.memory_space<vmem_shared>> -> memref<10000x32xf32, #tpu.memory_space<vmem_shared>>
      tpu.wait_indirect_dma semaphore(%arg12 : memref<!tpu.dma_semaphore, #tpu.memory_space<semaphore_mem>>) src(%dma_wait3A_70 : memref<10000x32xf32, #tpu.memory_space<vmem_shared>>) dst(%arg7 : memref<128x32xf32, #tpu.memory_space<vmem>>)
      %dma_start3A_71 = arith.constant 0 : i32
      %dma_start3A_72 = tpu.memref_slice %arg5[%add3A_64, %dma_start3A_71] : memref<79x128xi32, #tpu.memory_space<vmem>> -> memref<1x128xi32, #tpu.memory_space<vmem>>
      %dma_start3A_73 = tpu.memref_squeeze %dma_start3A_72 : memref<1x128xi32, #tpu.memory_space<vmem>> -> memref<128xi32, #tpu.memory_space<vmem>>
      %dma_start3A_74 = arith.constant 0 : i32
      %dma_start3A_75 = arith.constant 0 : i32
      %dma_start3A_76 = tpu.memref_slice %arg11[%dma_start3A_74, %dma_start3A_75] : memref<10000x32xf32, #tpu.memory_space<vmem_shared>> -> memref<10000x32xf32, #tpu.memory_space<vmem_shared>>
      tpu.enqueue_indirect_dma source(%dma_start3A_76 : memref<10000x32xf32, #tpu.memory_space<vmem_shared>>) target(%arg8 : memref<128x32xf32, #tpu.memory_space<vmem>>) offsets(%dma_start3A_73 : memref<128xi32, #tpu.memory_space<vmem>>) semaphore(%arg13 : memref<!tpu.dma_semaphore, #tpu.memory_space<semaphore_mem>>)
      "tpu.region"() ({
        %run_scoped3A_92 = tpu.sem_alloc : memref<!tpu.dma_semaphore, #tpu.memory_space<semaphore_mem>>
        %dma_start3A_93 = arith.constant 0 : i32
        %dma_start3A_94 = tpu.memref_slice %arg6[%mul3A_62, %dma_start3A_93] : memref<79x128xi32, #tpu.memory_space<vmem>> -> memref<1x128xi32, #tpu.memory_space<vmem>>
        %dma_start3A_95 = tpu.memref_squeeze %dma_start3A_94 : memref<1x128xi32, #tpu.memory_space<vmem>> -> memref<128xi32, #tpu.memory_space<vmem>>
        %dma_start3A_96 = arith.constant 0 : i32
        %dma_start3A_97 = arith.constant 0 : i32
        %dma_start3A_98 = tpu.memref_slice %arg10[%dma_start3A_96, %dma_start3A_97] : memref<10000x32xf32, #tpu.memory_space<vmem_shared>> -> memref<10000x32xf32, #tpu.memory_space<vmem_shared>>
        tpu.enqueue_indirect_dma source(%arg7 : memref<128x32xf32, #tpu.memory_space<vmem>>) target(%dma_start3A_98 : memref<10000x32xf32, #tpu.memory_space<vmem_shared>>) offsets(%dma_start3A_95 : memref<128xi32, #tpu.memory_space<vmem>>) semaphore(%run_scoped3A_92 : memref<!tpu.dma_semaphore, #tpu.memory_space<semaphore_mem>>) {add = true}
        %dma_wait3A_99 = arith.constant 0 : i32
        %dma_wait3A_100 = tpu.memref_slice %arg6[%mul3A_62, %dma_wait3A_99] : memref<79x128xi32, #tpu.memory_space<vmem>> -> memref<1x128xi32, #tpu.memory_space<vmem>>
        %dma_wait3A_101 = tpu.memref_squeeze %dma_wait3A_100 : memref<1x128xi32, #tpu.memory_space<vmem>> -> memref<128xi32, #tpu.memory_space<vmem>>
        %dma_wait3A_102 = arith.constant 0 : i32
        %dma_wait3A_103 = arith.constant 0 : i32
        %dma_wait3A_104 = tpu.memref_slice %arg10[%dma_wait3A_102, %dma_wait3A_103] : memref<10000x32xf32, #tpu.memory_space<vmem_shared>> -> memref<10000x32xf32, #tpu.memory_space<vmem_shared>>
        tpu.wait_indirect_dma semaphore(%run_scoped3A_92 : memref<!tpu.dma_semaphore, #tpu.memory_space<semaphore_mem>>) src(%arg7 : memref<128x32xf32, #tpu.memory_space<vmem>>) dst(%dma_wait3A_104 : memref<10000x32xf32, #tpu.memory_space<vmem_shared>>)
        tpu.yield
      }) : () -> ()
      %dma_wait3A_77 = arith.constant 0 : i32
      %dma_wait3A_78 = tpu.memref_slice %arg5[%add3A_64, %dma_wait3A_77] : memref<79x128xi32, #tpu.memory_space<vmem>> -> memref<1x128xi32, #tpu.memory_space<vmem>>
      %dma_wait3A_79 = tpu.memref_squeeze %dma_wait3A_78 : memref<1x128xi32, #tpu.memory_space<vmem>> -> memref<128xi32, #tpu.memory_space<vmem>>
      %dma_wait3A_80 = arith.constant 0 : i32
      %dma_wait3A_81 = arith.constant 0 : i32
      %dma_wait3A_82 = tpu.memref_slice %arg11[%dma_wait3A_80, %dma_wait3A_81] : memref<10000x32xf32, #tpu.memory_space<vmem_shared>> -> memref<10000x32xf32, #tpu.memory_space<vmem_shared>>
      tpu.wait_indirect_dma semaphore(%arg13 : memref<!tpu.dma_semaphore, #tpu.memory_space<semaphore_mem>>) src(%dma_wait3A_82 : memref<10000x32xf32, #tpu.memory_space<vmem_shared>>) dst(%arg8 : memref<128x32xf32, #tpu.memory_space<vmem>>)
      %add3A_83 = arith.constant 2 : i32
      %add3A_84 = arith.addi %mul3A_62, %add3A_83 : i32
      %sub3A = arith.constant 1 : i32
      %sub3A_85 = arith.subi %add3A_29, %sub3A : i32
      %min3A = arith.minsi %add3A_84, %sub3A_85 : i32
      %dma_start3A_86 = arith.constant 0 : i32
      %dma_start3A_87 = tpu.memref_slice %arg5[%min3A, %dma_start3A_86] : memref<79x128xi32, #tpu.memory_space<vmem>> -> memref<1x128xi32, #tpu.memory_space<vmem>>
      %dma_start3A_88 = tpu.memref_squeeze %dma_start3A_87 : memref<1x128xi32, #tpu.memory_space<vmem>> -> memref<128xi32, #tpu.memory_space<vmem>>
      %dma_start3A_89 = arith.constant 0 : i32
      %dma_start3A_90 = arith.constant 0 : i32
      %dma_start3A_91 = tpu.memref_slice %arg11[%dma_start3A_89, %dma_start3A_90] : memref<10000x32xf32, #tpu.memory_space<vmem_shared>> -> memref<10000x32xf32, #tpu.memory_space<vmem_shared>>
      tpu.enqueue_indirect_dma source(%dma_start3A_91 : memref<10000x32xf32, #tpu.memory_space<vmem_shared>>) target(%arg7 : memref<128x32xf32, #tpu.memory_space<vmem>>) offsets(%dma_start3A_88 : memref<128xi32, #tpu.memory_space<vmem>>) semaphore(%arg12 : memref<!tpu.dma_semaphore, #tpu.memory_space<semaphore_mem>>)
      "tpu.region"() ({
        %run_scoped3A_92 = tpu.sem_alloc : memref<!tpu.dma_semaphore, #tpu.memory_space<semaphore_mem>>
        %dma_start3A_93 = arith.constant 0 : i32
        %dma_start3A_94 = tpu.memref_slice %arg6[%add3A_64, %dma_start3A_93] : memref<79x128xi32, #tpu.memory_space<vmem>> -> memref<1x128xi32, #tpu.memory_space<vmem>>
        %dma_start3A_95 = tpu.memref_squeeze %dma_start3A_94 : memref<1x128xi32, #tpu.memory_space<vmem>> -> memref<128xi32, #tpu.memory_space<vmem>>
        %dma_start3A_96 = arith.constant 0 : i32
        %dma_start3A_97 = arith.constant 0 : i32
        %dma_start3A_98 = tpu.memref_slice %arg10[%dma_start3A_96, %dma_start3A_97] : memref<10000x32xf32, #tpu.memory_space<vmem_shared>> -> memref<10000x32xf32, #tpu.memory_space<vmem_shared>>
        tpu.enqueue_indirect_dma source(%arg8 : memref<128x32xf32, #tpu.memory_space<vmem>>) target(%dma_start3A_98 : memref<10000x32xf32, #tpu.memory_space<vmem_shared>>) offsets(%dma_start3A_95 : memref<128xi32, #tpu.memory_space<vmem>>) semaphore(%run_scoped3A_92 : memref<!tpu.dma_semaphore, #tpu.memory_space<semaphore_mem>>) {add = true}
        %dma_wait3A_99 = arith.constant 0 : i32
        %dma_wait3A_100 = tpu.memref_slice %arg6[%add3A_64, %dma_wait3A_99] : memref<79x128xi32, #tpu.memory_space<vmem>> -> memref<1x128xi32, #tpu.memory_space<vmem>>
        %dma_wait3A_101 = tpu.memref_squeeze %dma_wait3A_100 : memref<1x128xi32, #tpu.memory_space<vmem>> -> memref<128xi32, #tpu.memory_space<vmem>>
        %dma_wait3A_102 = arith.constant 0 : i32
        %dma_wait3A_103 = arith.constant 0 : i32
        %dma_wait3A_104 = tpu.memref_slice %arg10[%dma_wait3A_102, %dma_wait3A_103] : memref<10000x32xf32, #tpu.memory_space<vmem_shared>> -> memref<10000x32xf32, #tpu.memory_space<vmem_shared>>
        tpu.wait_indirect_dma semaphore(%run_scoped3A_92 : memref<!tpu.dma_semaphore, #tpu.memory_space<semaphore_mem>>) src(%arg8 : memref<128x32xf32, #tpu.memory_space<vmem>>) dst(%dma_wait3A_104 : memref<10000x32xf32, #tpu.memory_space<vmem_shared>>)
        tpu.yield
      }) : () -> ()
    }
    %scan3A_41 = arith.constant 39 : i32
    %dma_wait3A = arith.constant 78 : i32
    %dma_wait3A_42 = arith.constant 0 : i32
    %dma_wait3A_43 = tpu.memref_slice %arg5[%dma_wait3A, %dma_wait3A_42] : memref<79x128xi32, #tpu.memory_space<vmem>> -> memref<1x128xi32, #tpu.memory_space<vmem>>
    %dma_wait3A_44 = tpu.memref_squeeze %dma_wait3A_43 : memref<1x128xi32, #tpu.memory_space<vmem>> -> memref<128xi32, #tpu.memory_space<vmem>>
    %dma_wait3A_45 = arith.constant 0 : i32
    %dma_wait3A_46 = arith.constant 0 : i32
    %dma_wait3A_47 = tpu.memref_slice %arg11[%dma_wait3A_45, %dma_wait3A_46] : memref<10000x32xf32, #tpu.memory_space<vmem_shared>> -> memref<10000x32xf32, #tpu.memory_space<vmem_shared>>
    tpu.wait_indirect_dma semaphore(%arg12 : memref<!tpu.dma_semaphore, #tpu.memory_space<semaphore_mem>>) src(%dma_wait3A_47 : memref<10000x32xf32, #tpu.memory_space<vmem_shared>>) dst(%arg7 : memref<128x32xf32, #tpu.memory_space<vmem>>)
    %lt3A_48 = arith.constant 4 : i32
    %lt3A_49 = arith.cmpi slt, %add3A, %lt3A_48 : i32
    %convert_element_type3A_50 = arith.extui %lt3A_49 : i1 to i32
    %cond3A_51 = arith.constant 0 : i32
    %cond3A_52 = arith.cmpi ne, %convert_element_type3A_50, %cond3A_51 : i32
    scf.if %cond3A_52 {
      %run_scoped3A_60 = arith.constant 78 : i32
      "tpu.region"() ({
        %run_scoped3A_61 = tpu.sem_alloc : memref<!tpu.dma_semaphore, #tpu.memory_space<semaphore_mem>>
        %dma_start3A_62 = arith.constant 0 : i32
        %dma_start3A_63 = tpu.memref_slice %arg6[%run_scoped3A_60, %dma_start3A_62] : memref<79x128xi32, #tpu.memory_space<vmem>> -> memref<1x128xi32, #tpu.memory_space<vmem>>
        %dma_start3A_64 = tpu.memref_squeeze %dma_start3A_63 : memref<1x128xi32, #tpu.memory_space<vmem>> -> memref<128xi32, #tpu.memory_space<vmem>>
        %dma_start3A_65 = arith.constant 0 : i32
        %dma_start3A_66 = arith.constant 0 : i32
        %dma_start3A_67 = tpu.memref_slice %arg10[%dma_start3A_65, %dma_start3A_66] : memref<10000x32xf32, #tpu.memory_space<vmem_shared>> -> memref<10000x32xf32, #tpu.memory_space<vmem_shared>>
        tpu.enqueue_indirect_dma source(%arg7 : memref<128x32xf32, #tpu.memory_space<vmem>>) target(%dma_start3A_67 : memref<10000x32xf32, #tpu.memory_space<vmem_shared>>) offsets(%dma_start3A_64 : memref<128xi32, #tpu.memory_space<vmem>>) semaphore(%run_scoped3A_61 : memref<!tpu.dma_semaphore, #tpu.memory_space<semaphore_mem>>) {add = true}
        %dma_wait3A_68 = arith.constant 0 : i32
        %dma_wait3A_69 = tpu.memref_slice %arg6[%run_scoped3A_60, %dma_wait3A_68] : memref<79x128xi32, #tpu.memory_space<vmem>> -> memref<1x128xi32, #tpu.memory_space<vmem>>
        %dma_wait3A_70 = tpu.memref_squeeze %dma_wait3A_69 : memref<1x128xi32, #tpu.memory_space<vmem>> -> memref<128xi32, #tpu.memory_space<vmem>>
        %dma_wait3A_71 = arith.constant 0 : i32
        %dma_wait3A_72 = arith.constant 0 : i32
        %dma_wait3A_73 = tpu.memref_slice %arg10[%dma_wait3A_71, %dma_wait3A_72] : memref<10000x32xf32, #tpu.memory_space<vmem_shared>> -> memref<10000x32xf32, #tpu.memory_space<vmem_shared>>
        tpu.wait_indirect_dma semaphore(%run_scoped3A_61 : memref<!tpu.dma_semaphore, #tpu.memory_space<semaphore_mem>>) src(%arg7 : memref<128x32xf32, #tpu.memory_space<vmem>>) dst(%dma_wait3A_73 : memref<10000x32xf32, #tpu.memory_space<vmem_shared>>)
        tpu.yield
      }) : () -> ()
    } else {
    }
    %barrier3A_53 = arith.constant 0 : index
    tpu.barrier barrier_id(%barrier3A_53)
    %scan3A_54 = arith.constant 0 : i32
    %scan3A_55 = arith.constant 0 : i32
    %scan3A_56 = arith.constant 5 : i32
    %scan3A_57 = arith.addi %scan3A_55, %scan3A_56 : i32
    %scan3A_58 = arith.constant 1 : i32
    scf.for %scan3A_60 = %scan3A_55 to %scan3A_57 step %scan3A_58  : i32 {
      %mul3A_61 = arith.constant 625 : i32
      %mul3A_62 = arith.muli %arg1, %mul3A_61 : i32
      %mul3A_63 = arith.constant 125 : i32
      %mul3A_64 = arith.muli %scan3A_60, %mul3A_63 : i32
      %add3A_65 = arith.addi %mul3A_62, %mul3A_64 : i32
      "tpu.region"() ({
        %run_scoped3A_66 = tpu.sem_alloc : memref<!tpu.dma_semaphore, #tpu.memory_space<semaphore_mem>>
        %dma_start3A_67 = arith.constant 0 : i32
        %dma_start3A_68 = tpu.memref_slice %arg10[%add3A_65, %dma_start3A_67] : memref<10000x32xf32, #tpu.memory_space<vmem_shared>> -> memref<125x32xf32, #tpu.memory_space<vmem_shared>>
        %dma_start3A_69 = arith.constant 0 : i32
        %dma_start3A_70 = tpu.memref_slice %arg10[%add3A_65, %dma_start3A_69] : memref<10000x32xf32, #tpu.memory_space<vmem_shared>> -> memref<125x32xf32, #tpu.memory_space<vmem_shared>>
        tpu.enqueue_dma source(%dma_start3A_70 : memref<125x32xf32, #tpu.memory_space<vmem_shared>>) target(%arg9 : memref<125x32xf32, #tpu.memory_space<vmem>>) target_semaphore(%run_scoped3A_66 : memref<!tpu.dma_semaphore, #tpu.memory_space<semaphore_mem>>)
        %dma_wait3A_71 = arith.constant 0 : i32
        %dma_wait3A_72 = tpu.memref_slice %arg10[%add3A_65, %dma_wait3A_71] : memref<10000x32xf32, #tpu.memory_space<vmem_shared>> -> memref<125x32xf32, #tpu.memory_space<vmem_shared>>
        %dma_wait3A_73 = arith.constant 0 : i32
        %dma_wait3A_74 = tpu.memref_slice %arg10[%add3A_65, %dma_wait3A_73] : memref<10000x32xf32, #tpu.memory_space<vmem_shared>> -> memref<125x32xf32, #tpu.memory_space<vmem_shared>>
        tpu.wait_dma2 semaphore(%run_scoped3A_66 : memref<!tpu.dma_semaphore, #tpu.memory_space<semaphore_mem>>) src(%dma_wait3A_74 : memref<125x32xf32, #tpu.memory_space<vmem_shared>>) dst(%arg9 : memref<125x32xf32, #tpu.memory_space<vmem>>)
        tpu.yield
      }) : () -> ()
      "tpu.region"() ({
        %run_scoped3A_66 = tpu.sem_alloc : memref<!tpu.dma_semaphore, #tpu.memory_space<semaphore_mem>>
        %dma_start3A_67 = arith.constant 0 : i32
        %dma_start3A_68 = tpu.memref_slice %arg4[%arg0, %add3A_65, %dma_start3A_67] : memref<2x10000x32xf32, #tpu.memory_space<hbm>> -> memref<1x125x32xf32, #tpu.memory_space<hbm>>
        %dma_start3A_69 = tpu.memref_squeeze %dma_start3A_68 : memref<1x125x32xf32, #tpu.memory_space<hbm>> -> memref<125x32xf32, #tpu.memory_space<hbm>>
        %dma_start3A_70 = arith.constant 0 : i32
        %dma_start3A_71 = tpu.memref_slice %arg4[%arg0, %add3A_65, %dma_start3A_70] : memref<2x10000x32xf32, #tpu.memory_space<hbm>> -> memref<1x125x32xf32, #tpu.memory_space<hbm>>
        %dma_start3A_72 = tpu.memref_squeeze %dma_start3A_71 : memref<1x125x32xf32, #tpu.memory_space<hbm>> -> memref<125x32xf32, #tpu.memory_space<hbm>>
        tpu.enqueue_dma source(%arg9 : memref<125x32xf32, #tpu.memory_space<vmem>>) target(%dma_start3A_72 : memref<125x32xf32, #tpu.memory_space<hbm>>) target_semaphore(%run_scoped3A_66 : memref<!tpu.dma_semaphore, #tpu.memory_space<semaphore_mem>>)
        %dma_wait3A_73 = arith.constant 0 : i32
        %dma_wait3A_74 = tpu.memref_slice %arg4[%arg0, %add3A_65, %dma_wait3A_73] : memref<2x10000x32xf32, #tpu.memory_space<hbm>> -> memref<1x125x32xf32, #tpu.memory_space<hbm>>
        %dma_wait3A_75 = tpu.memref_squeeze %dma_wait3A_74 : memref<1x125x32xf32, #tpu.memory_space<hbm>> -> memref<125x32xf32, #tpu.memory_space<hbm>>
        %dma_wait3A_76 = arith.constant 0 : i32
        %dma_wait3A_77 = tpu.memref_slice %arg4[%arg0, %add3A_65, %dma_wait3A_76] : memref<2x10000x32xf32, #tpu.memory_space<hbm>> -> memref<1x125x32xf32, #tpu.memory_space<hbm>>
        %dma_wait3A_78 = tpu.memref_squeeze %dma_wait3A_77 : memref<1x125x32xf32, #tpu.memory_space<hbm>> -> memref<125x32xf32, #tpu.memory_space<hbm>>
        tpu.wait_dma2 semaphore(%run_scoped3A_66 : memref<!tpu.dma_semaphore, #tpu.memory_space<semaphore_mem>>) src(%arg9 : memref<125x32xf32, #tpu.memory_space<vmem>>) dst(%dma_wait3A_78 : memref<125x32xf32, #tpu.memory_space<hbm>>)
        tpu.yield
      }) : () -> ()
    }
    %scan3A_59 = arith.constant 5 : i32
    return
  }
}

module attributes {stable_mosaic.version = 14 : i64} {
  func.func @_tc1_body(%arg0: i32, %arg1: memref<1000x128xf32, #tpu.memory_space<vmem>>, %arg2: memref<16x128xf32, #tpu.memory_space<vmem>>, %arg3: memref<16x128xf32, #tpu.memory_space<vmem>>, %arg4: memref<1000x32xf32, #tpu.memory_space<vmem>>, %arg5: memref<1000x16xf32, #tpu.memory_space<vmem>>) attributes {dimension_semantics = [#tpu.dimension_semantics<arbitrary>], iteration_bounds = array<i64: 10>, scalar_prefetch = 0 : i64, scratch_operands = 0 : i64, tpu.core_type = #tpu.core_type<tc>, window_params = [{transform_indices = @transform_0, window_bounds = array<i64: 1000, 128>}, {pipeline_mode = #tpu.pipeline_mode<synchronous>, transform_indices = @transform_1, window_bounds = array<i64: 16, 128>}, {pipeline_mode = #tpu.pipeline_mode<synchronous>, transform_indices = @transform_2, window_bounds = array<i64: 16, 128>}, {transform_indices = @transform_3, window_bounds = array<i64: 1000, 32>}, {transform_indices = @transform_4, window_bounds = array<i64: 1000, 16>}]} {
    %get3A = arith.constant 0 : index
    %get3A_0 = arith.constant 0 : index
    %get3A_1 = vector.load %arg1[%get3A, %get3A_0] : memref<1000x128xf32, #tpu.memory_space<vmem>>, vector<1000x128xf32>
    %get3A_2 = arith.constant 0 : index
    %get3A_3 = arith.constant 0 : index
    %get3A_4 = vector.load %arg2[%get3A_2, %get3A_3] : memref<16x128xf32, #tpu.memory_space<vmem>>, vector<16x128xf32>
    %dot_general3A = arith.constant dense<0.000000e+00> : vector<1000x16xf32>
    %dot_general3A_5 = tpu.matmul %get3A_1, %get3A_4, %dot_general3A {dimension_numbers = #tpu.dot_dimension_numbers<[1], [1], [0], [0], [0, 0, 1, 0], [], []>, transpose_lhs_hint = false} : vector<1000x128xf32>, vector<16x128xf32>, vector<1000x16xf32> -> vector<1000x16xf32>
    %broadcast_in_dim3A = arith.constant 1.000000e+00 : f32
    %broadcast_in_dim3A_6 = vector.broadcast %broadcast_in_dim3A : f32 to vector<1000x1xf32>
    %broadcast_in_dim3A_7 = arith.constant 0.000000e+00 : f32
    %broadcast_in_dim3A_8 = vector.broadcast %broadcast_in_dim3A_7 : f32 to vector<1000x15xf32>
    %concatenate3A = tpu.concatenate %dot_general3A_5, %broadcast_in_dim3A_6, %broadcast_in_dim3A_8 in 1 : vector<1000x16xf32>, vector<1000x1xf32>, vector<1000x15xf32> -> vector<1000x32xf32>
    %swap3A = arith.constant 0 : index
    %swap3A_9 = arith.constant 0 : index
    %swap3A_10 = vector.load %arg4[%swap3A, %swap3A_9] : memref<1000x32xf32, #tpu.memory_space<vmem>>, vector<1000x32xf32>
    tpu.vector_store %arg4[%swap3A, %swap3A_9], %concatenate3A {strides = array<i32>} : memref<1000x32xf32, #tpu.memory_space<vmem>>, vector<1000x32xf32>,
    %get3A_11 = arith.constant 0 : index
    %get3A_12 = arith.constant 0 : index
    %get3A_13 = vector.load %arg3[%get3A_11, %get3A_12] : memref<16x128xf32, #tpu.memory_space<vmem>>, vector<16x128xf32>
    %dot_general3A_14 = arith.constant dense<0.000000e+00> : vector<1000x16xf32>
    %dot_general3A_15 = tpu.matmul %get3A_1, %get3A_13, %dot_general3A_14 {dimension_numbers = #tpu.dot_dimension_numbers<[1], [1], [0], [0], [0, 0, 1, 0], [], []>, transpose_lhs_hint = false} : vector<1000x128xf32>, vector<16x128xf32>, vector<1000x16xf32> -> vector<1000x16xf32>
    %swap3A_16 = arith.constant 0 : index
    %swap3A_17 = arith.constant 0 : index
    %swap3A_18 = vector.load %arg5[%swap3A_16, %swap3A_17] : memref<1000x16xf32, #tpu.memory_space<vmem>>, vector<1000x16xf32>
    tpu.vector_store %arg5[%swap3A_16, %swap3A_17], %dot_general3A_15 {strides = array<i32>} : memref<1000x16xf32, #tpu.memory_space<vmem>>, vector<1000x16xf32>,
    return
  }
  func.func @transform_0(%arg0: i32) -> (i32, i32) {
    %c0_i32 = arith.constant 0 : i32
    %c0_i32_0 = arith.constant 0 : i32
    return %arg0, %c0_i32 : i32, i32
  }
  func.func @transform_1(%arg0: i32) -> (i32, i32) {
    %c0_i32 = arith.constant 0 : i32
    %c0_i32_0 = arith.constant 0 : i32
    %c0_i32_1 = arith.constant 0 : i32
    return %c0_i32, %c0_i32_0 : i32, i32
  }
  func.func @transform_2(%arg0: i32) -> (i32, i32) {
    %c0_i32 = arith.constant 0 : i32
    %c0_i32_0 = arith.constant 0 : i32
    %c0_i32_1 = arith.constant 0 : i32
    return %c0_i32, %c0_i32_0 : i32, i32
  }
  func.func @transform_3(%arg0: i32) -> (i32, i32) {
    %c0_i32 = arith.constant 0 : i32
    %c0_i32_0 = arith.constant 0 : i32
    return %arg0, %c0_i32 : i32, i32
  }
  func.func @transform_4(%arg0: i32) -> (i32, i32) {
    %c0_i32 = arith.constant 0 : i32
    %c0_i32_0 = arith.constant 0 : i32
    return %arg0, %c0_i32 : i32, i32
  }
}

module attributes {stable_mosaic.version = 14 : i64} {
  func.func @_tc2_body(%arg0: i32, %arg1: memref<2x1000x32xf32, #tpu.memory_space<vmem>>, %arg2: memref<1000x16xf32, #tpu.memory_space<vmem>>, %arg3: memref<1x16xf32, #tpu.memory_space<vmem>>, %arg4: memref<128x16xf32, #tpu.memory_space<vmem>>, %arg5: memref<1x128xf32, #tpu.memory_space<vmem>>, %arg6: memref<1000x128xf32, #tpu.memory_space<vmem>>) attributes {dimension_semantics = [#tpu.dimension_semantics<arbitrary>], iteration_bounds = array<i64: 10>, scalar_prefetch = 0 : i64, scratch_operands = 0 : i64, tpu.core_type = #tpu.core_type<tc>, window_params = [{transform_indices = @transform_0, window_bounds = array<i64: 2, 1000, 32>}, {transform_indices = @transform_1, window_bounds = array<i64: 1000, 16>}, {pipeline_mode = #tpu.pipeline_mode<synchronous>, transform_indices = @transform_2, window_bounds = array<i64: 1, 16>}, {pipeline_mode = #tpu.pipeline_mode<synchronous>, transform_indices = @transform_3, window_bounds = array<i64: 128, 16>}, {pipeline_mode = #tpu.pipeline_mode<synchronous>, transform_indices = @transform_4, window_bounds = array<i64: 1, 128>}, {transform_indices = @transform_5, window_bounds = array<i64: 1000, 128>}]} {
    %get3A = arith.constant 0 : index
    %get3A_0 = arith.constant 0 : index
    %get3A_1 = arith.constant 0 : index
    %get3A_2 = vector.load %arg1[%get3A, %get3A_0, %get3A_1] : memref<2x1000x32xf32, #tpu.memory_space<vmem>>, vector<2x1000x32xf32>
    %slice3A = vector.extract_strided_slice %get3A_2 {offsets = [0, 0, 0], sizes = [1, 1000, 32], strides = [1, 1, 1]} : vector<2x1000x32xf32> to vector<1x1000x32xf32>
    %squeeze3A = vector.shape_cast %slice3A : vector<1x1000x32xf32> to vector<1000x32xf32>
    %slice3A_3 = vector.extract_strided_slice %get3A_2 {offsets = [1, 0, 0], sizes = [1, 1000, 32], strides = [1, 1, 1]} : vector<2x1000x32xf32> to vector<1x1000x32xf32>
    %squeeze3A_4 = vector.shape_cast %slice3A_3 : vector<1x1000x32xf32> to vector<1000x32xf32>
    %add3A = arith.addf %squeeze3A, %squeeze3A_4 : vector<1000x32xf32>
    %slice3A_5 = vector.extract_strided_slice %add3A {offsets = [0, 0], sizes = [1000, 16], strides = [1, 1]} : vector<1000x32xf32> to vector<1000x16xf32>
    %slice3A_6 = vector.extract_strided_slice %add3A {offsets = [0, 16], sizes = [1000, 1], strides = [1, 1]} : vector<1000x32xf32> to vector<1000x1xf32>
    %max3A = arith.constant 1.000000e+00 : f32
    %max3A_7 = vector.broadcast %max3A : f32 to vector<1000x1xf32>
    %max3A_8 = arith.maximumf %slice3A_6, %max3A_7 : vector<1000x1xf32>
    %div3A = vector.broadcast %max3A_8 : vector<1000x1xf32> to vector<1000x16xf32>
    %div3A_9 = arith.divf %slice3A_5, %div3A : vector<1000x16xf32>
    %get3A_10 = arith.constant 0 : index
    %get3A_11 = arith.constant 0 : index
    %get3A_12 = vector.load %arg3[%get3A_10, %get3A_11] : memref<1x16xf32, #tpu.memory_space<vmem>>, vector<1x16xf32>
    %add3A_13 = vector.broadcast %get3A_12 : vector<1x16xf32> to vector<1000x16xf32>
    %add3A_14 = arith.addf %div3A_9, %add3A_13 : vector<1000x16xf32>
    %get3A_15 = arith.constant 0 : index
    %get3A_16 = arith.constant 0 : index
    %get3A_17 = vector.load %arg2[%get3A_15, %get3A_16] : memref<1000x16xf32, #tpu.memory_space<vmem>>, vector<1000x16xf32>
    %add3A_18 = arith.addf %add3A_14, %get3A_17 : vector<1000x16xf32>
    %max3A_19 = arith.constant 0.000000e+00 : f32
    %max3A_20 = vector.broadcast %max3A_19 : f32 to vector<1000x16xf32>
    %max3A_21 = arith.maximumf %add3A_18, %max3A_20 : vector<1000x16xf32>
    %get3A_22 = arith.constant 0 : index
    %get3A_23 = arith.constant 0 : index
    %get3A_24 = vector.load %arg4[%get3A_22, %get3A_23] : memref<128x16xf32, #tpu.memory_space<vmem>>, vector<128x16xf32>
    %dot_general3A = arith.constant dense<0.000000e+00> : vector<1000x128xf32>
    %dot_general3A_25 = tpu.matmul %max3A_21, %get3A_24, %dot_general3A {dimension_numbers = #tpu.dot_dimension_numbers<[1], [1], [0], [0], [0, 0, 1, 0], [], []>, transpose_lhs_hint = false} : vector<1000x16xf32>, vector<128x16xf32>, vector<1000x128xf32> -> vector<1000x128xf32>
    %get3A_26 = arith.constant 0 : index
    %get3A_27 = arith.constant 0 : index
    %get3A_28 = vector.load %arg5[%get3A_26, %get3A_27] : memref<1x128xf32, #tpu.memory_space<vmem>>, vector<1x128xf32>
    %add3A_29 = vector.broadcast %get3A_28 : vector<1x128xf32> to vector<1000x128xf32>
    %add3A_30 = arith.addf %dot_general3A_25, %add3A_29 : vector<1000x128xf32>
    %swap3A = arith.constant 0 : index
    %swap3A_31 = arith.constant 0 : index
    %swap3A_32 = vector.load %arg6[%swap3A, %swap3A_31] : memref<1000x128xf32, #tpu.memory_space<vmem>>, vector<1000x128xf32>
    tpu.vector_store %arg6[%swap3A, %swap3A_31], %add3A_30 {strides = array<i32>} : memref<1000x128xf32, #tpu.memory_space<vmem>>, vector<1000x128xf32>,
    return
  }
  func.func @transform_0(%arg0: i32) -> (i32, i32, i32) {
    %c0_i32 = arith.constant 0 : i32
    %c0_i32_0 = arith.constant 0 : i32
    %c0_i32_1 = arith.constant 0 : i32
    return %c0_i32, %arg0, %c0_i32_0 : i32, i32, i32
  }
  func.func @transform_1(%arg0: i32) -> (i32, i32) {
    %c0_i32 = arith.constant 0 : i32
    %c0_i32_0 = arith.constant 0 : i32
    return %arg0, %c0_i32 : i32, i32
  }
  func.func @transform_2(%arg0: i32) -> (i32, i32) {
    %c0_i32 = arith.constant 0 : i32
    %c0_i32_0 = arith.constant 0 : i32
    %c0_i32_1 = arith.constant 0 : i32
    return %c0_i32, %c0_i32_0 : i32, i32
  }
  func.func @transform_3(%arg0: i32) -> (i32, i32) {
    %c0_i32 = arith.constant 0 : i32
    %c0_i32_0 = arith.constant 0 : i32
    %c0_i32_1 = arith.constant 0 : i32
    return %c0_i32, %c0_i32_0 : i32, i32
  }
  func.func @transform_4(%arg0: i32) -> (i32, i32) {
    %c0_i32 = arith.constant 0 : i32
    %c0_i32_0 = arith.constant 0 : i32
    %c0_i32_1 = arith.constant 0 : i32
    return %c0_i32, %c0_i32_0 : i32, i32
  }
  func.func @transform_5(%arg0: i32) -> (i32, i32) {
    %c0_i32 = arith.constant 0 : i32
    %c0_i32_0 = arith.constant 0 : i32
    return %arg0, %c0_i32 : i32, i32
  }
}

</mosaic_0001>

<sc_bundles>
// kernel: kernel.5.cloned.1.call-start
scs
__scs_entry_jumppad:
0x0: {  	(pc) =	sbr.rel $0x88, $3  }
0x1: {  	(tag) =	ssettag $0x0;
	lr =	simm.s32 $0x1  }
0x2: {  	[smem:$0x3F9A] =	sst lr;
	_ =	strace $0xD0000000  }
0x3: {  	_ = 	snop  }
0x4: {  	_ = 	snop  }
0x5: {  	_ = 	snop  }
0x6: {  	_ = 	snop  }
0x7: {  	_ = 	snop  }
__scs_overlays_trampoline_lowered:
0x8: {  	[smem:$0x3FA9] =	sst s0  }
0x9: {  	[smem:$0x3FAA] =	sst s1  }
0xa: {  	[smem:$0x3FAB] =	sst s2  }
0xb: {  	[smem:$0x3FAC] =	sst s3  }
0xc: {  	[smem:$0x3FAD] =	sst s4  }
0xd: {  	[smem:$0x3FAE] =	sst s5  }
0xe: {  	[smem:$0x3FAF] =	sst s6  }
0xf: {  	[smem:$0x3FB0] =	sst s7  }
0x10: {  	[smem:$0x3FB1] =	sst s8  }
0x11: {  	[smem:$0x3FB2] =	sst s9;
	s0 =	simm.s32 @!p0 $0x0  }
0x12: {  	s1 =	sld [smem:$0x3F98];
	s0 =	simm.s32 @p0 $0x1  }
0x13: {  	[smem:$0x3FB3] =	sst s0;
	s0 =	simm.s32 @!p1 $0x0  }
0x14: {  	s2 =	sld [smem:$0x3F97];
	s0 =	simm.s32 @p1 $0x1  }
0x15: {  	[smem:$0x3FB4] =	sst s0;
	s0 =	simm.s32 @!p2 $0x0  }
0x16: {  	s3 =	sld [smem:$0x3FDB];
	s0 =	simm.s32 @p2 $0x1  }
0x17: {  	s4 =	simm.s32 $0x1BF5;
	[smem:$0x3FB6] =	sst s0  }
0x18: {  	s0 =	sld [smem:$0x3F99];
	_ =	swait.ge [sflag:s4], $0x0  }
0x19: {  	s7 =	sld [smem:$0x3F9A]  }
0x1a: {  	s8 =	sadd.s32 $0xFFFFE003, lr  }
0x1b: {  	s9 =	sadd.s32 $0xFFFFFEF7, lr;
	s5 =	simm.s32 $0xFFFFFFFF;
	p2 =	slt.u32 s8, $0xFFFFF086  }
0x1c: {  	p1 =	slt.u32 s9, $0xF7A;
	s5 =	simm.s32 @!p2 $0x0  }
0x1d: {  	s5 =	simm.s32 @p1 $0x1;
	p0 =	seq.s32 s7, s2  }
0x1e: {  	s7 =	smul.u32 @!p0 $0xF7A, s2;
	p2 =	seq.s32 @!p0 s5, $0x0  }
0x1f: {  	s9 =	smul.u32 $0xF7A, s1;
	s8 =	simm.s32 @!p0 $0x1BF5;
	p2 =	por !p2, p0  }
0x20: {  	[sflag:s8] =	ssyncset.s32 @!p0 $0xFFFFF086;
	s6 =	sadd.s32 @!p0 s3, s7;
	s7 =	simm.s32 @!p0 $0x108  }
0x21: {  	s3 =	sadd.s32 s3, s9;
	s6 =	sadd.s32 @!p0 $0x88, s6;
	s7 =	simm.s32 @p2 $0x1082  }
0x22: {  	[simem:s7], [sflag:s8] =	dma.local @!p0 [hbm:s6], $0xF7A  }
0x23: {  	s9 =	sor.u32 $0xD0000000, s2;
	s6 =	simm.s32 $0x108;
	_ =	swait.ge @!p0 [sflag:s8], $0x0  }
0x24: {  	s3 =	sadd.s32 $0x88, s3;
	s6 =	simm.s32 @!p1 $0x1082;
	[sflag:s4] =	ssyncset.s32 $0xFFFFF086  }
0x25: {  	[simem:s6], [sflag:s4] =	dma.local [hbm:s3], $0xF7A  }
0x26: {  	[smem:$0x3F9A] =	sst s1;
	(tag) =	ssettag s2;
	_ =	strace s9  }
0x27: {  	s1 =	sld [smem:$0x3FAA]  }
0x28: {  	s2 =	sld [smem:$0x3FAB]  }
0x29: {  	s4 =	sld [smem:$0x3FAD]  }
0x2a: {  	p0 =	seq.s32 s5, $0x0;
	s5 =	sld [smem:$0x3FAE]  }
0x2b: {  	s6 =	sld [smem:$0x3FAF]  }
0x2c: {  	s7 =	sld [smem:$0x3FB0]  }
0x2d: {  	s3 =	simm.s32 $0x108;
	s8 =	sld [smem:$0x3FB1]  }
0x2e: {  	s3 =	simm.s32 @!p0 $0x1082;
	s9 =	sld [smem:$0x3FB2]  }
0x2f: {  	lr =	sadd.s32 s0, s3;
	s0 =	sld [smem:$0x3FA9]  }
0x30: {  	s3 =	sld [smem:$0x3FAC]  }
0x31: {  	[smem:$0x3FB5] =	sst s10  }
0x32: {  	s10 =	sld [smem:$0x3FB3];
	_ =	sdelay $0x3  }
0x33: {  	p0 =	seq.s32 s10, $0x1;
	s10 =	sld [smem:$0x3FB5];
	_ =	sdelay $0x3  }
0x34: {  	[smem:$0x3FB5] =	sst s10  }
0x35: {  	s10 =	sld [smem:$0x3FB4];
	_ =	sdelay $0x3  }
0x36: {  	p1 =	seq.s32 s10, $0x1;
	s10 =	sld [smem:$0x3FB5];
	_ =	sdelay $0x3  }
0x37: {  	[smem:$0x3FB5] =	sst s10  }
0x38: {  	s10 =	sld [smem:$0x3FB6]  }
0x39: {  	_ = 	snop;
	(pc) =	sbr.ind lr, $3  }
0x3a: {  	_ = 	snop  }
0x3b: {  	_ = 	snop  }
0x3c: {  	p2 =	seq.s32 s10, $0x1;
	s10 =	sld [smem:$0x3FB5]  }
0x3d: {  	_ =	shalt  }
0x3e: {  	_ =	shalt  }
0x3f: {  	_ =	shalt  }
0x40: {  	_ =	shalt  }
0x41: {  	_ =	shalt  }
0x42: {  	_ =	shalt  }
0x43: {  	_ =	shalt  }
0x44: {  	_ =	shalt  }
0x45: {  	_ =	shalt  }
0x46: {  	_ =	shalt  }
0x47: {  	_ =	shalt  }
0x48: {  	_ =	shalt  }
0x49: {  	_ =	shalt  }
0x4a: {  	_ =	shalt  }
0x4b: {  	_ =	shalt  }
0x4c: {  	_ =	shalt  }
0x4d: {  	_ =	shalt  }
0x4e: {  	_ =	shalt  }
0x4f: {  	_ =	shalt  }
0x50: {  	_ =	shalt  }
0x51: {  	_ =	shalt  }
0x52: {  	_ =	shalt  }
0x53: {  	_ =	shalt  }
0x54: {  	_ =	shalt  }
0x55: {  	_ =	shalt  }
0x56: {  	_ =	shalt  }
0x57: {  	_ =	shalt  }
0x58: {  	_ =	shalt  }
0x59: {  	_ =	shalt  }
0x5a: {  	_ =	shalt  }
0x5b: {  	_ =	shalt  }
0x5c: {  	_ =	shalt  }
0x5d: {  	_ =	shalt  }
0x5e: {  	_ =	shalt  }
0x5f: {  	_ =	shalt  }
0x60: {  	_ =	shalt  }
0x61: {  	_ =	shalt  }
0x62: {  	_ =	shalt  }
0x63: {  	_ =	shalt  }
0x64: {  	_ =	shalt  }
0x65: {  	_ =	shalt  }
0x66: {  	_ =	shalt  }
0x67: {  	_ =	shalt  }
0x68: {  	_ =	shalt  }
0x69: {  	_ =	shalt  }
0x6a: {  	_ =	shalt  }
0x6b: {  	_ =	shalt  }
0x6c: {  	_ =	shalt  }
0x6d: {  	_ =	shalt  }
0x6e: {  	_ =	shalt  }
0x6f: {  	_ =	shalt  }
0x70: {  	_ =	shalt  }
0x71: {  	_ =	shalt  }
0x72: {  	_ =	shalt  }
0x73: {  	_ =	shalt  }
0x74: {  	_ =	shalt  }
0x75: {  	_ =	shalt  }
0x76: {  	_ =	shalt  }
0x77: {  	_ =	shalt  }
0x78: {  	_ =	shalt  }
0x79: {  	_ =	shalt  }
0x7a: {  	_ =	shalt  }
0x7b: {  	_ =	shalt  }
0x7c: {  	_ =	shalt  }
0x7d: {  	_ =	shalt  }
0x7e: {  	_ =	shalt  }
0x7f: {  	_ =	shalt  }
0x80: {  	_ =	shalt  }
0x81: {  	_ =	shalt  }
0x82: {  	_ =	shalt  }
0x83: {  	_ =	shalt  }
0x84: {  	_ =	shalt  }
0x85: {  	_ =	shalt  }
0x86: {  	_ =	shalt  }
0x87: {  	_ =	shalt  }
.Lfunc_end0:
.L_simem_size_0:
called_computation_lowered:
.L_overlay_start_0:
0x88: {  	s2 =	sld [smem:$0x3FD9]  }
0x89: {  	s3 =	sld [smem:$0x3FFE];
	_ =	sdelay $0x1  }
0x8a: {  	s1 =	srdreg.scid  }
0x8b: {  	s0 =	sand.u32 $0x1, s1  }
0x8c: {  	s17 =	sshll.u32 s0, $0xA;
	s2 =	sadd.s32 s3, s2  }
0x8d: {  	s2 =	sadd.s32 s2, s17  }
0x8e: {  	[smem:$0x3FC1] =	sst s2  }
0x8f: {  	_ = 	snop  }
0x90: {  	s2 =	sld [smem:$0x3FD0];
	(tm) =	ssettm $0x1  }
0x91: {  	s18 =	sld [smem:$0x3FFB];
	_ =	sdelay $0x3  }
0x92: {  	_ =	strace s18  }
0x93: {  	s3 =	sld [smem:$0x3FFC];
	_ =	sdelay $0x3  }
0x94: {  	_ =	strace s3  }
0x95: {  	s3 =	sld [smem:$0x3FFD];
	_ =	sdelay $0x3  }
0x96: {  	_ =	strace s3  }
0x97: {  	_ =	strace $0x8FFFFFFF  }
0x98: {  	s19 =	sld [smem:$0x3FDB];
	_ =	sdelay $0x1  }
0x99: {  	s4 =	simm.s32 $_scs_section_size  }
0x9a: {  	s5 =	simm.s32 $_size__tile_overlayer_lowered;
	s6 =	simm.s32 $_tile_overlayer_lowered  }
0x9b: {  	s22 =	simm.s32 $0x1BFF;
	s21 =	sshll.u32 s6, $0x1;
	s3 =	sadd.s32 s4, s19  }
0x9c: {  	s7 =	simm.s32 $0x0;
	s20 =	sshll.u32 s5, $0x1;
	s5 =	sadd.s32 s21, s3  }
0x9d: {  	[timem:s7], [sflag:s22] =	dma.local [hbm:s5], s20  }
0x9e: {  	_ =	swait.ge [sflag:s22], s20  }
0x9f: {  	s4 =	ssub.s32 $0x0, s20;
	[sflag:s22] =	ssyncset.done $0x0  }
0xa0: {  	[sflag:s22] =	ssyncadd.s32 s4;
	_ =	sdelay $0x1  }
0xa1: {  	s23 =	simm.s32 $0x1B8B  }
0xa2: {  	_ =	swait.ge [sflag:s23], $0x1  }
0xa3: {  	[sflag:s23] =	ssyncset.done $0x0  }
0xa4: {  	s25 =	simm.s32 $0x1B8E;
	s24 =	sld [smem:$0x3FFE];
	[sflag:s23] =	ssyncadd.s32 $0xFFFFFFFF  }
0xa5: {  	s26 =	simm.s32 $execute0_lowered;
	[smem:$0x3FD2] =	sst s25  }
0xa6: {  	s5 =	sshll.u32 s26, $0x1;
	_ =	strace $0x80000046;
	[dreg:$0x1] =	wrdreg $0xFFFFFFFF  }
0xa7: {  	s28 =	simm.s32 $_size_execute0_lowered;
	s3 =	sadd.s32 s3, s5;
	[dreg:$0x0] =	wrdreg $0x0  }
0xa8: {  	s5 =	sshll.u32 s28, $0x1;
	[dreg:$0x2] =	wrdreg s3  }
0xa9: {  	[dreg:$0x3] =	wrdreg s5  }
0xaa: {  	[dreg:$0x4] =	wrdreg $0xC0  }
0xab: {  	_ =	task [dreg:s7], $0x5FFFF  }
0xac: {  	[dreg:$0x1] =	wrdreg $0xFFFFFFFF  }
0xad: {  	[dreg:$0x0] =	wrdreg $0x60  }
0xae: {  	[dreg:$0x2] =	wrdreg s24  }
0xaf: {  	[dreg:$0x3] =	wrdreg s2  }
0xb0: {  	[dreg:$0x4] =	wrdreg $0x7EA00  }
0xb1: {  	[dreg:$0x5] =	wrdreg $0xCCC00  }
0xb2: {  	[dreg:$0x6] =	wrdreg $0x9  }
0xb3: {  	_ =	task.clear_ibuf [dreg:s7], $0x7FFFF;
	_ =	strace $0x90000046  }
0xb4: {  	s29 =	simm.s32 $0x9;
	_ =	strace $0x80000048  }
0xb5: {  	_ =	swait.ge [sflag:s29], $0x1  }
0xb6: {  	[sflag:s29] =	ssyncadd.s32 $0xFFFFFFFF  }
0xb7: {  	_ =	strace $0x90000048  }
0xb8: {  	_ =	sfence  }
0xb9: {  	s30 =	sld [smem:$0x0];
	_ =	sdelay $0x2  }
0xba: {  	s31 =	sshll.u32 s1, $0xD;
	s1 =	sshrl.u32 s1, $0x2  }
0xbb: {  	s3 =	sand.u32 $0x4000, s31;
	s1 =	sadd.s32 s1, s30  }
0xbc: {  	s0 =	sor.u32 s3, s0;
	s1 =	sshll.u32 s1, $0x11  }
0xbd: {  	s0 =	sor.u32 s1, s0  }
0xbe: {  	s0 =	sadd.s32 $0x8F2B, s0  }
0xbf: {  	[sflag:s0] =	ssyncadd.remote.s32 $0x1  }
0xc0: {  	_ =	sfence.sel $0xFFFF  }
0xc1: {  	[dreg:$0x0] =	wrdreg $0xFFFFFFFF;
	(pc) =	sbr.abs _section_cstart, $3  }
0xc2: {  	[dreg:$0x1] =	wrdreg $0xFFFFFFFF  }
0xc3: {  	_ =	task.clear_ibuf [dreg:s7], $0x2FFFF;
	_ =	strace $0x9FFFFFFF  }
0xc4: {  	(tm) =	ssettm $0x7FFFFFFF  }
0xc5: {  	_ =	shalt  }
tec
execute0_lowered:
.L_overlay_start_1:
0x0: {  	(tag) =	ssettag $0x1  }
0x1: {  	s0 =	rddreg [dreg:$0x0]  }
0x2: {  	s1 =	rddreg [dreg:$0x1];
	s3 =	srdreg.scid  }
0x3: {  	s2 =	rddreg [dreg:$0x2];
	s17 =	stileid.u32  }
0x4: {  	s5 =	sand.u32 $0x1, s3;
	s3 =	rddreg [dreg:$0x3];
	s18 =	smul.u32 $0x271, s17  }
0x5: {  	s9 =	sadd.s32 $0x1200, s0;
	s0 =	sadd.s32 $0xB000, s0;
	s11 =	smul.u32 $0x4E20, s17  }
0x6: {  	s19 =	sshll.u32 s17, $0x4;
	s15 =	smul.u32 $0x9C4, s17;
	s4 =	sshll.u32 s5, $0x4  }
0x7: {  	s6 =	ssub.s32 $0x2, s5;
	s5 =	smul.u32 $0x4E200, s5;
	s7 =	sor.u32 s17, s4  }
0x8: {  	s4 =	simm.s32 $0x0;
	s10 =	sshrl.u32 s6, $0x1;
	s12 =	sadd.s32 $0x7D, s18  }
0x9: {  	s14 =	sadd.s32 $0xFA, s18;
	s15 =	sadd.s32 s9, s15;
	s8 =	smul.u32 $0x2700, s7  }
0xa: {  	[smem:$0x7FF] =	sst s4;
	s20 =	ssub.s32 s6, s10;
	p0 =	slt.u32 s7, $0x4  }
0xb: {  	s6 =	simm.s32 $0x4E;
	s13 =	sshll.u32 s12, $0x5;
	s24 =	sshll.u32 s14, $0x5  }
0xc: {  	[dreg:$0x5] =	wrdreg s15;
	s12 =	sshll.u32 s12, $0x2;
	s14 =	sshll.u32 s14, $0x2  }
0xd: {  	s12 =	sadd.s32 s9, s12;
	s22 =	sadd.s32 s9, s14;
	s14 =	sadd.s32 s5, s11  }
0xe: {  	s15 =	sadd.s32 s5, s13;
	s6 =	simm.s32 @!p0 $0x4D;
	p0 =	sgt.u32 s7, $0x3  }
0xf: {  	s20 =	smax.u32 s20, $0x1;
	s7 =	simm.s32 $0x4F00;
	[dreg:$0x6] =	wrdreg s12  }
0x10: {  	s16 =	sshrl.u32 s8, $0x3;
	s8 =	sadd.s32 $0x1F4, s18;
	[dreg:$0x7] =	wrdreg s22  }
0x11: {  	s10 =	sadd.s32 s1, s16;
	s1 =	sadd.s32 s19, s1;
	s16 =	sadd.s32 $0x177, s18  }
0x12: {  	s26 =	sshll.u32 s8, $0x5;
	s8 =	sshll.u32 s8, $0x2;
	s18 =	sshrl.u32 s15, $0x3  }
0x13: {  	s15 =	sadd.s32 s24, s3;
	s25 =	sshll.u32 s16, $0x5;
	s21 =	sshll.u32 s16, $0x2  }
0x14: {  	s8 =	sadd.s32 s9, s8;
	s16 =	sshrl.u32 s14, $0x3;
	s19 =	sadd.s32 s0, s18  }
0x15: {  	s12 =	sadd.s32 $0x9C00, s1;
	s18 =	sadd.s32 $0x13840, s1;
	s14 =	sadd.s32 s13, s3  }
0x16: {  	s29 =	sshrl.u32 s15, $0x3;
	s1 =	simm.s32 $0x6F00;
	[dreg:$0x9] =	wrdreg s8  }
0x17: {  	s23 =	sadd.s32 s9, s21;
	s8 =	sadd.s32 s0, s16;
	[dreg:$0xb] =	wrdreg s19  }
0x18: {  	s21 =	sadd.s32 s5, s24;
	s22 =	sadd.s32 s5, s25;
	s5 =	sadd.s32 s5, s26  }
0x19: {  	s9 =	smul.u32 $0x13880, s17;
	s19 =	sadd.s32 s11, s2;
	s16 =	sadd.s32 s25, s3  }
0x1a: {  	s17 =	sadd.s32 s26, s3;
	s28 =	sshrl.u32 s14, $0x3;
	[dreg:$0x8] =	wrdreg s23  }
0x1b: {  	s11 =	simm.s32 $0x2;
	[dreg:$0xa] =	wrdreg s8;
	s8 =	sshrl.u32 s21, $0x3  }
0x1c: {  	s23 =	sshrl.u32 s22, $0x3;
	s5 =	sshrl.u32 s5, $0x3;
	s22 =	sadd.s32 s13, s2  }
0x1d: {  	s30 =	sshrl.u32 s16, $0x3;
	s31 =	sshrl.u32 s17, $0x3;
	s8 =	sadd.s32 s0, s8  }
0x1e: {  	s17 =	smov.u32 s10;
	[dreg:$0xc] =	wrdreg s8;
	s8 =	sadd.s32 s0, s23  }
0x1f: {  	s0 =	sadd.s32 s0, s5;
	s23 =	sadd.s32 s24, s2;
	s24 =	sadd.s32 s25, s2  }
0x20: {  	s25 =	sadd.s32 s26, s2;
	s5 =	simm.s32 $0x3;
	[dreg:$0xd] =	wrdreg s8  }
0x21: {  	[dreg:$0xe] =	wrdreg s0;
	s0 =	sshrl.u32 s9, $0x2;
	s8 =	simm.s32 $0x1  }
0x22: {  	s9 =	simm.s32 $0x80;
	_ =	strace $0x80000047;
	[dreg:$0xf] =	wrdreg s12  }
0x23: {  	s21 =	sadd.s32 s0, s2;
	s0 =	sadd.s32 s0, s3;
	s12 =	simm.s32 $0x0  }
0x24: {  	v0 =	vimm.f32 $0.0e+00;
	s26 =	sshrl.u32 s0, $0x3;
	s0 =	sadd.s32 $0x9C40, s10;
	s10 =	simm.s32 $0x5F00  }
.LBB2_1:
0x25: {  	s13 =	simm.s32 $0x80;
	s14 =	simm.s32 $0x0  }
.LBB2_2:
0x26: {  	p1 =	sne.s32 s13, $0x3E00;
	[tilespmem:s14+$0x6F00] =	vst v0;
	s15 =	smov.u32 s13;
	s13 =	sadd.s32 $0x80, s13  }
.Ltmp0:
0x27: {  	[tilespmem:s14+$0x6F10] =	vst v0;
	(pc) =	sbr.rel @p1 .LBB2_2-.Ltmp0, $2  }
0x28: {  	_ =	sdelay $0x2  }
0x29: {  	s14 =	sshra.s32 s15, $0x2  }
0x2a: {  	[tilespmem:s14+$0x6F00] =	vst v0  }
0x2b: {  	[tilespmem:s14+$0x6F10] =	vst v0  }
0x2c: {  	[spmem:s21] =	stream.linear.scatter [tilespmem:s1], [sflag:$0x3], $0xFA0, $0x38;
	[tilespmem:$0x11AE0] =	vst v63  }
0x2d: {  	_ =	swait.ge [sflag:s5], $0xFA0  }
0x2e: {  	[sflag:s5] =	ssyncset.done $0x0  }
0x2f: {  	[sflag:s5] =	ssyncadd.s32 $0xFFFFF060  }
0x30: {  	[spmem:s22] =	stream.linear.scatter [tilespmem:s1], [sflag:$0x3], $0xFA0, $0x38;
	[tilespmem:$0x11AE0] =	vst v63  }
0x31: {  	_ =	swait.ge [sflag:s5], $0xFA0  }
0x32: {  	[sflag:s5] =	ssyncset.done $0x0  }
0x33: {  	[sflag:s5] =	ssyncadd.s32 $0xFFFFF060  }
0x34: {  	[spmem:s23] =	stream.linear.scatter [tilespmem:s1], [sflag:$0x3], $0xFA0, $0x38;
	[tilespmem:$0x11AE0] =	vst v63  }
0x35: {  	_ =	swait.ge [sflag:s5], $0xFA0  }
0x36: {  	[sflag:s5] =	ssyncset.done $0x0  }
0x37: {  	[sflag:s5] =	ssyncadd.s32 $0xFFFFF060  }
0x38: {  	[spmem:s24] =	stream.linear.scatter [tilespmem:s1], [sflag:$0x3], $0xFA0, $0x38;
	[tilespmem:$0x11AE0] =	vst v63  }
0x39: {  	_ =	swait.ge [sflag:s5], $0xFA0  }
0x3a: {  	[sflag:s5] =	ssyncset.done $0x0  }
0x3b: {  	[sflag:s5] =	ssyncadd.s32 $0xFFFFF060  }
0x3c: {  	[spmem:s25] =	stream.linear.scatter [tilespmem:s1], [sflag:$0x3], $0xFA0, $0x38;
	[tilespmem:$0x11AE0] =	vst v63  }
0x3d: {  	s13 =	stileid.u32;
	_ =	swait.ge [sflag:s5], $0xFA0  }
0x3e: {  	s13 =	sshll.u32 s13, $0x6;
	[sflag:s5] =	ssyncset.done $0x0  }
0x3f: {  	s13 =	sor.u32 $0x1C03, s13;
	s16 =	rddreg [dreg:$0x5];
	[sflag:s5] =	ssyncadd.s32 $0xFFFFF060  }
0x40: {  	[spmem:s26], [sflag:s13] =	dma.local [hbm:s16], $0x1F4  }
0x41: {  	_ =	swait.ge [sflag:s5], $0x1F4  }
0x42: {  	[sflag:s5] =	ssyncset.done $0x0  }
0x43: {  	s15 =	rddreg [dreg:$0x6];
	[sflag:s5] =	ssyncadd.s32 $0xFFFFFE0C  }
0x44: {  	[spmem:s28], [sflag:s13] =	dma.local [hbm:s15], $0x1F4  }
0x45: {  	_ =	swait.ge [sflag:s5], $0x1F4  }
0x46: {  	[sflag:s5] =	ssyncset.done $0x0  }
0x47: {  	s16 =	rddreg [dreg:$0x7];
	[sflag:s5] =	ssyncadd.s32 $0xFFFFFE0C  }
0x48: {  	[spmem:s29], [sflag:s13] =	dma.local [hbm:s16], $0x1F4  }
0x49: {  	_ =	swait.ge [sflag:s5], $0x1F4  }
0x4a: {  	[sflag:s5] =	ssyncset.done $0x0  }
0x4b: {  	s15 =	rddreg [dreg:$0x8];
	[sflag:s5] =	ssyncadd.s32 $0xFFFFFE0C  }
0x4c: {  	[spmem:s30], [sflag:s13] =	dma.local [hbm:s15], $0x1F4  }
0x4d: {  	_ =	swait.ge [sflag:s5], $0x1F4  }
0x4e: {  	[sflag:s5] =	ssyncset.done $0x0  }
0x4f: {  	s16 =	rddreg [dreg:$0x9];
	[sflag:s5] =	ssyncadd.s32 $0xFFFFFE0C  }
0x50: {  	[spmem:s31], [sflag:s13] =	dma.local [hbm:s16], $0x1F4  }
0x51: {  	_ =	swait.ge [sflag:s5], $0x1F4  }
0x52: {  	[sflag:s5] =	ssyncset.done $0x0  }
0x53: {  	[sflag:s5] =	ssyncadd.s32 $0xFFFFFE0C  }
0x54: {  	[tilespmem:s4], [sflag:$0x3] =	stream.linear.gather [hbm4b:s17+s4], $0x2700, $0x38;
	[tilespmem:$0x11AE0] =	vst v63  }
0x55: {  	_ =	swait.ge [sflag:s5], $0x2700  }
0x56: {  	[sflag:s5] =	ssyncset.done $0x0  }
0x57: {  	s15 =	simm.s32 $0x2780;
	[sflag:s5] =	ssyncadd.s32 $0xFFFFD900  }
0x58: {  	[tilespmem:s15], [sflag:$0x3] =	stream.linear.gather [hbm4b:s0+s4], $0x2700, $0x38;
	[tilespmem:$0x11AE0] =	vst v63  }
0x59: {  	_ =	swait.ge [sflag:s5], $0x2700  }
0x5a: {  	s14 =	simm.s32 @!p0 $0x2700;
	[sflag:s5] =	ssyncset.done $0x0  }
0x5b: {  	s13 =	simm.s32 @!p0 $0x0;
	s15 =	rddreg [dreg:$0xf];
	[sflag:s5] =	ssyncadd.s32 $0xFFFFD900  }
0x5c: {  	[tilespmem:s14], [sflag:$0x3] =	stream.linear.gather @!p0 [hbm4b:s15+s13], $0x80, $0x38;
	[tilespmem:$0x11AE0] =	vst v63  }
0x5d: {  	s14 =	simm.s32 @!p0 $0x3  }
0x5e: {  	_ =	swait.ge @!p0 [sflag:s14], $0x80  }
0x5f: {  	[sflag:s14] =	ssyncset.done @!p0 $0x0  }
0x60: {  	s15 =	simm.s32 @!p0 $0x4E80;
	[sflag:s14] =	ssyncadd.s32 @!p0 $0xFFFFFF80  }
0x61: {  	[tilespmem:s15], [sflag:$0x3] =	stream.linear.gather @!p0 [hbm4b:s18+s13], $0x80, $0x38;
	[tilespmem:$0x11AE0] =	vst v63  }
0x62: {  	_ =	swait.ge @!p0 [sflag:s14], $0x80  }
0x63: {  	[sflag:s14] =	ssyncset.done @!p0 $0x0  }
0x64: {  	[sflag:s14] =	ssyncadd.s32 @!p0 $0xFFFFFF80  }
0x65: {  	s13 =	simm.s32 $0x80;
	[bflag:$0x0] =	sbarrier.arrive $0xFFFF  }
0x66: {  	[tilespmem:s7], [sflag:$0x1] =	stream.indirect.gather [spmem:s3], $0x20, s4, s13, $0xb8;
	[tilespmem:$0x11AE0] =	vst v63  }
0x67: {  	_ =	swait.ge [sflag:s8], $0x1000  }
0x68: {  	[sflag:s8] =	ssyncset.done $0x0  }
0x69: {  	[sflag:s8] =	ssyncadd.s32 $0xFFFFF000  }
0x6a: {  	[tilespmem:s10], [sflag:$0x2] =	stream.indirect.gather [spmem:s3], $0x20, s13, s9, $0xb8;
	[tilespmem:$0x11AE0] =	vst v63  }
0x6b: {  	s14 =	simm.s32 $0x2780  }
0x6c: {  	[spmem:s2] =	stream.indirect.scatter.add.f32 [tilespmem:s7], [sflag:$0x3], $0x20, s14, s9, $0xb8;
	[tilespmem:$0x11AE0] =	vst v63  }
0x6d: {  	_ =	swait.ge [sflag:s5], $0x1000  }
0x6e: {  	[sflag:s5] =	ssyncset.done $0x0  }
0x6f: {  	[sflag:s5] =	ssyncadd.s32 $0xFFFFF000  }
0x70: {  	s16 =	simm.s32 $0x2;
	_ =	swait.ge [sflag:s11], $0x1000  }
0x71: {  	s15 =	smin.u32 s16, s6;
	[sflag:s11] =	ssyncset.done $0x0  }
0x72: {  	s15 =	sshll.u32 s15, $0x7;
	[sflag:s11] =	ssyncadd.s32 $0xFFFFF000  }
0x73: {  	[tilespmem:s7], [sflag:$0x1] =	stream.indirect.gather [spmem:s3], $0x20, s15, s9, $0xb8;
	[tilespmem:$0x11AE0] =	vst v63  }
0x74: {  	s16 =	simm.s32 $0x2800  }
0x75: {  	[spmem:s2] =	stream.indirect.scatter.add.f32 [tilespmem:s10], [sflag:$0x3], $0x20, s16, s9, $0xb8;
	[tilespmem:$0x11AE0] =	vst v63  }
0x76: {  	_ =	swait.ge [sflag:s5], $0x1000  }
0x77: {  	s15 =	simm.s32 $0x4;
	[sflag:s5] =	ssyncset.done $0x0  }
.LBB2_4:
0x78: {  	[sflag:s5] =	ssyncadd.s32 $0xFFFFF000;
	s14 =	sadd.s32 $0x100, s14;
	s13 =	sadd.s32 $0x100, s13  }
0x79: {  	p1 =	sne.s32 s15, $0x4E;
	s16 =	smov.u32 s15;
	s15 =	sadd.s32 $0x2, s15  }
0x7a: {  	_ =	swait.ge [sflag:s8], $0x1000  }
0x7b: {  	[sflag:s8] =	ssyncset.done $0x0  }
0x7c: {  	[sflag:s8] =	ssyncadd.s32 $0xFFFFF000  }
0x7d: {  	[tilespmem:s10], [sflag:$0x2] =	stream.indirect.gather [spmem:s3], $0x20, s13, s9, $0xb8;
	[tilespmem:$0x11AE0] =	vst v63  }
0x7e: {  	_ = 	snop  }
0x7f: {  	[spmem:s2] =	stream.indirect.scatter.add.f32 [tilespmem:s7], [sflag:$0x3], $0x20, s14, s9, $0xb8;
	[tilespmem:$0x11AE0] =	vst v63  }
0x80: {  	_ =	swait.ge [sflag:s5], $0x1000  }
0x81: {  	[sflag:s5] =	ssyncset.done $0x0  }
0x82: {  	[sflag:s5] =	ssyncadd.s32 $0xFFFFF000  }
0x83: {  	_ =	swait.ge [sflag:s11], $0x1000  }
0x84: {  	s16 =	smin.u32 s16, s6;
	[sflag:s11] =	ssyncset.done $0x0  }
0x85: {  	s16 =	sshll.u32 s16, $0x7;
	[sflag:s11] =	ssyncadd.s32 $0xFFFFF000  }
0x86: {  	[tilespmem:s7], [sflag:$0x1] =	stream.indirect.gather [spmem:s3], $0x20, s16, s9, $0xb8;
	[tilespmem:$0x11AE0] =	vst v63  }
.Ltmp1:
0x87: {  	_ = 	snop;
	(pc) =	sbr.rel @p1 .LBB2_4-.Ltmp1, $4  }
0x88: {  	s16 =	sadd.s32 $0x80, s14  }
0x89: {  	[spmem:s2] =	stream.indirect.scatter.add.f32 [tilespmem:s10], [sflag:$0x3], $0x20, s16, s9, $0xb8;
	[tilespmem:$0x11AE0] =	vst v63  }
0x8a: {  	_ =	swait.ge [sflag:s5], $0x1000  }
0x8b: {  	[sflag:s5] =	ssyncset.done $0x0  }
0x8c: {  	[sflag:s5] =	ssyncadd.s32 $0xFFFFF000  }
0x8d: {  	_ =	swait.ge [sflag:s8], $0x1000  }
0x8e: {  	s13 =	simm.s32 @!p0 $0x80;
	[sflag:s8] =	ssyncset.done $0x0  }
0x8f: {  	s14 =	simm.s32 @!p0 $0x4E80;
	s15 =	simm.s32 @!p0 $0x4F00;
	[sflag:s8] =	ssyncadd.s32 $0xFFFFF000  }
0x90: {  	[spmem:s2] =	stream.indirect.scatter.add.f32 @!p0 [tilespmem:s15], [sflag:$0x3], $0x20, s14, s13, $0xb8;
	[tilespmem:$0x11AE0] =	vst v63  }
0x91: {  	s13 =	simm.s32 @!p0 $0x3  }
0x92: {  	_ =	swait.ge @!p0 [sflag:s13], $0x1000  }
0x93: {  	[sflag:s13] =	ssyncset.done @!p0 $0x0  }
0x94: {  	[sflag:s13] =	ssyncadd.s32 @!p0 $0xFFFFF000  }
0x95: {  	[bflag:$0x0] =	sbarrier.arrive $0xFFFF  }
0x96: {  	[tilespmem:s1], [sflag:$0x3] =	stream.linear.gather [spmem:s19], $0xFA0, $0x38;
	[tilespmem:$0x11AE0] =	vst v63  }
0x97: {  	_ =	swait.ge [sflag:s5], $0xFA0  }
0x98: {  	[sflag:s5] =	ssyncset.done $0x0  }
0x99: {  	s15 =	rddreg [dreg:$0xa];
	[sflag:s5] =	ssyncadd.s32 $0xFFFFF060  }
0x9a: {  	[hbm4b:s15+s4] =	stream.linear.scatter [tilespmem:s1], [sflag:$0x3], $0xFA0, $0x38;
	[tilespmem:$0x11AE0] =	vst v63  }
0x9b: {  	_ =	swait.ge [sflag:s5], $0xFA0  }
0x9c: {  	[sflag:s5] =	ssyncset.done $0x0  }
0x9d: {  	[sflag:s5] =	ssyncadd.s32 $0xFFFFF060  }
0x9e: {  	[tilespmem:s1], [sflag:$0x3] =	stream.linear.gather [spmem:s22], $0xFA0, $0x38;
	[tilespmem:$0x11AE0] =	vst v63  }
0x9f: {  	_ =	swait.ge [sflag:s5], $0xFA0  }
0xa0: {  	[sflag:s5] =	ssyncset.done $0x0  }
0xa1: {  	s16 =	rddreg [dreg:$0xb];
	[sflag:s5] =	ssyncadd.s32 $0xFFFFF060  }
0xa2: {  	[hbm4b:s16+s4] =	stream.linear.scatter [tilespmem:s1], [sflag:$0x3], $0xFA0, $0x38;
	[tilespmem:$0x11AE0] =	vst v63  }
0xa3: {  	_ =	swait.ge [sflag:s5], $0xFA0  }
0xa4: {  	[sflag:s5] =	ssyncset.done $0x0  }
0xa5: {  	[sflag:s5] =	ssyncadd.s32 $0xFFFFF060  }
0xa6: {  	[tilespmem:s1], [sflag:$0x3] =	stream.linear.gather [spmem:s23], $0xFA0, $0x38;
	[tilespmem:$0x11AE0] =	vst v63  }
0xa7: {  	_ =	swait.ge [sflag:s5], $0xFA0  }
0xa8: {  	[sflag:s5] =	ssyncset.done $0x0  }
0xa9: {  	s14 =	rddreg [dreg:$0xc];
	[sflag:s5] =	ssyncadd.s32 $0xFFFFF060  }
0xaa: {  	[hbm4b:s14+s4] =	stream.linear.scatter [tilespmem:s1], [sflag:$0x3], $0xFA0, $0x38;
	[tilespmem:$0x11AE0] =	vst v63  }
0xab: {  	_ =	swait.ge [sflag:s5], $0xFA0  }
0xac: {  	[sflag:s5] =	ssyncset.done $0x0  }
0xad: {  	[sflag:s5] =	ssyncadd.s32 $0xFFFFF060  }
0xae: {  	[tilespmem:s1], [sflag:$0x3] =	stream.linear.gather [spmem:s24], $0xFA0, $0x38;
	[tilespmem:$0x11AE0] =	vst v63  }
0xaf: {  	_ =	swait.ge [sflag:s5], $0xFA0  }
0xb0: {  	[sflag:s5] =	ssyncset.done $0x0  }
0xb1: {  	s15 =	rddreg [dreg:$0xd];
	[sflag:s5] =	ssyncadd.s32 $0xFFFFF060  }
0xb2: {  	[hbm4b:s15+s4] =	stream.linear.scatter [tilespmem:s1], [sflag:$0x3], $0xFA0, $0x38;
	[tilespmem:$0x11AE0] =	vst v63  }
0xb3: {  	_ =	swait.ge [sflag:s5], $0xFA0  }
0xb4: {  	[sflag:s5] =	ssyncset.done $0x0  }
0xb5: {  	[sflag:s5] =	ssyncadd.s32 $0xFFFFF060  }
0xb6: {  	[tilespmem:s1], [sflag:$0x3] =	stream.linear.gather [spmem:s25], $0xFA0, $0x38;
	[tilespmem:$0x11AE0] =	vst v63  }
0xb7: {  	s12 =	sadd.s32 $0x1, s12;
	_ =	swait.ge [sflag:s5], $0xFA0  }
0xb8: {  	p1 =	sne.s32 s12, s20;
	[sflag:s5] =	ssyncset.done $0x0  }
.Ltmp2:
0xb9: {  	s16 =	rddreg [dreg:$0xe];
	[sflag:s5] =	ssyncadd.s32 $0xFFFFF060;
	(pc) =	sbr.rel @p1 .LBB2_1-.Ltmp2, $4  }
0xba: {  	[hbm4b:s16+s4] =	stream.linear.scatter [tilespmem:s1], [sflag:$0x3], $0xFA0, $0x38;
	[tilespmem:$0x11AE0] =	vst v63  }
0xbb: {  	_ =	swait.ge [sflag:s5], $0xFA0  }
0xbc: {  	[sflag:s5] =	ssyncset.done $0x0  }
0xbd: {  	[sflag:s5] =	ssyncadd.s32 $0xFFFFF060  }
0xbe: {  	_ =	sfence.sel $0x180000  }
0xbf: {  	[bflag:$0x0] =	sbarrier.arrive $0xFFFF  }
0xc0: {  	_ =	strace $0x90000047  }
0xc1: {  	s0 =	stileid.u32;
	[bflag:$0x2] =	sbarrier.arrive $0xFFFF  }
0xc2: {  	p0 =	sne.s32 s0, $0x0;
	s0 =	rddreg [dreg:$0x4]  }
0xc3: {  	s0 =	sadd.s32 @!p0 $0x100000, s0  }
0xc4: {  	[sflag:s0] =	ssyncadd.tile.s32 @!p0 $0x1;
	_ =	shalt  }
.Lfunc_end2:
_tile_overlayer_lowered:
.L_overlay_start_2:
0xc5: {  	(tag) =	ssettag $0x2  }
0xc6: {  	s0 =	rddreg [dreg:$0x0];
	s2 =	stileid.u32  }
0xc7: {  	s1 =	rddreg [dreg:$0x1];
	p0 =	sne.s32 s2, $0x0  }
0xc8: {  	s3 =	rddreg [dreg:$0x2];
	[bflag:$0x3] =	sbarrier.arrive $0xFFFF;
	s2 =	simm.s32 @!p0 $0x1C03  }
0xc9: {  	[timem:s3], [sflag:s2] =	dma.local @!p0 [hbm:s0], s1  }
0xca: {  	s0 =	simm.s32 @!p0 $0x3  }
0xcb: {  	_ =	swait.ge @!p0 [sflag:s0], s1  }
0xcc: {  	s1 =	ssub.s32 @!p0 $0x0, s1;
	[sflag:s0] =	ssyncset.done @!p0 $0x0  }
0xcd: {  	[sflag:s0] =	ssyncadd.s32 @!p0 s1  }
0xce: {  	[bflag:$0x3] =	sbarrier.arrive $0xFFFF  }
0xcf: {  	_ =	shalt  }

</sc_bundles>
